<compile_context>
chip_gen: v7x
topology: tpu7x:2x2x1
jax: 0.10.2.dev20260603
libtpu: 0.0.44.dev20260713+nightly
codegen_flags: <defaults>
</compile_context>

<pallas_src>
import jax
import jax.numpy as jnp
from jax import lax
from jax.experimental import pallas as pl
from jax.experimental.pallas import tpu as pltpu
from jax.experimental.pallas import tpu_sc as plsc

F_FIELDS = 26
VOCAB = 100000
BATCH = 16384
D_CAT = 32
D_NUM = 64
D_QUAL = 24
D_TOT = D_CAT + D_NUM + D_QUAL

NC, NS = 2, 16
NW = NC * NS
CH = 4096
NCHK = BATCH // CH
LANES = 16


def _sc_body(cats_hbm, tab_hbm, out_hbm, row_v, acc_v, idx_v, shidx, rsem,
             isem):
  sid = lax.axis_index("s")
  wid = sid * NC + lax.axis_index("c")

  pltpu.async_copy(tab_hbm.at[0, wid], row_v, rsem)

  @pl.when(sid == 0)
  def _stage0():
    pltpu.sync_copy(cats_hbm.at[0], shidx.at[0])

  zeros = jnp.zeros((LANES,), jnp.float32)
  @plsc.parallel_loop(0, BATCH // LANES, unroll=8)
  def _zero(i):
    acc_v[pl.ds(i * LANES, LANES)] = zeros

  plsc.subcore_barrier()
  pltpu.async_copy(shidx.at[0, pl.ds(0, CH)], idx_v.at[0], isem.at[0])

  @pl.loop(0, F_FIELDS)
  def _field(f):
    fslot = lax.rem(f, 2)
    @pl.when((sid == 0) & (f + 1 < F_FIELDS))
    def _stage_next():
      pltpu.sync_copy(cats_hbm.at[f + 1], shidx.at[1 - fslot])
    pltpu.make_async_copy(tab_hbm.at[f, wid], row_v, rsem).wait()
    for c in range(NCHK):
      s = c % 2
      if c + 1 < NCHK:
        pltpu.async_copy(shidx.at[fslot, pl.ds((c + 1) * CH, CH)],
                         idx_v.at[1 - s], isem.at[1 - s])
      pltpu.make_async_copy(shidx.at[fslot, pl.ds(c * CH, CH)],
                            idx_v.at[s], isem.at[s]).wait()
      @plsc.parallel_loop(0, CH // LANES, unroll=8)
      def _gather(i):
        vi = idx_v[s, pl.ds(i * LANES, LANES)]
        g = plsc.load_gather(row_v, [vi])
        plsc.addupdate(acc_v.at[pl.ds(c * CH + i * LANES, LANES)], g)
    @pl.when(f + 1 < F_FIELDS)
    def _next_row():
      pltpu.async_copy(tab_hbm.at[f + 1, wid], row_v, rsem)
    plsc.subcore_barrier()
    @pl.when(f + 1 < F_FIELDS)
    def _next_idx():
      pltpu.async_copy(shidx.at[1 - fslot, pl.ds(0, CH)],
                       idx_v.at[NCHK % 2], isem.at[NCHK % 2])

  pltpu.sync_copy(acc_v, out_hbm.at[wid])


def _sc_gather_t(cats, tab_t):
  mesh = plsc.VectorSubcoreMesh(
      core_axis_name="c", subcore_axis_name="s", num_cores=NC, num_subcores=NS)
  return pl.kernel(
      _sc_body,
      out_type=jax.ShapeDtypeStruct((D_CAT, BATCH), jnp.float32),
      mesh=mesh,
      scratch_types=[
          pltpu.VMEM((VOCAB,), jnp.float32),
          pltpu.VMEM((BATCH,), jnp.float32),
          pltpu.VMEM((2, CH), jnp.int32),
          pltpu.VMEM_SHARED((2, BATCH), jnp.int32),
          pltpu.SemaphoreType.DMA,
          pltpu.SemaphoreType.DMA((2,)),
      ],
      compiler_params=pltpu.CompilerParams(
          use_tc_tiling_on_sc=True, needs_layout_passes=False),
  )(cats, tab_t)


def _mlp_body(numsT_ref, qualsT_ref, W1_ref, b1_ref, W2_ref, b2_ref,
              Wq_ref, bq_ref, enT_ref, eqT_ref, sums_ref):
  cT = (((0,), (0,)), ((), ()))
  hT = jnp.maximum(
      lax.dot_general(W1_ref[...], numsT_ref[...], cT,
                      preferred_element_type=jnp.float32) + b1_ref[...], 0.0)
  enT = lax.dot_general(W2_ref[...], hT, cT,
                        preferred_element_type=jnp.float32) + b2_ref[...]
  eqT = lax.dot_general(Wq_ref[...], qualsT_ref[...], cT,
                        preferred_element_type=jnp.float32) + bq_ref[...]
  enT_ref[...] = enT
  eqT_ref[...] = eqT
  sums_ref[0:1, :] = jnp.sum(enT, 0, keepdims=True) + jnp.sum(
      eqT, 0, keepdims=True)
  sums_ref[1:2, :] = jnp.sum(enT * enT, 0, keepdims=True) + jnp.sum(
      eqT * eqT, 0, keepdims=True)


def _tc_mlp(numsT, qualsT, W1, b1, W2, b2, Wq, bq):
  BLK = 2048
  grid = (BATCH // BLK,)
  full = lambda shape: pl.BlockSpec(shape, lambda i: (0, 0))
  return pl.pallas_call(
      _mlp_body,
      grid=grid,
      in_specs=[
          pl.BlockSpec((64, BLK), lambda i: (0, i)),
          pl.BlockSpec((D_QUAL, BLK), lambda i: (0, i)),
          full((64, 64)),
          full((64, 1)),
          full((64, D_NUM)),
          full((D_NUM, 1)),
          full((D_QUAL, D_QUAL)),
          full((D_QUAL, 1)),
      ],
      out_specs=[
          pl.BlockSpec((D_NUM, BLK), lambda i: (0, i)),
          pl.BlockSpec((D_QUAL, BLK), lambda i: (0, i)),
          pl.BlockSpec((8, BLK), lambda i: (0, i)),
      ],
      out_shape=[
          jax.ShapeDtypeStruct((D_NUM, BATCH), jnp.float32),
          jax.ShapeDtypeStruct((D_QUAL, BATCH), jnp.float32),
          jax.ShapeDtypeStruct((8, BATCH), jnp.float32),
      ],
  )(numsT, qualsT, W1, b1, W2, b2, Wq, bq)


def _ln_body(ecat_ref, enT_ref, eqT_ref, sums_ref, gamma_ref, beta_ref,
             out_ref):
  ecT = ecat_ref[...]
  enT = enT_ref[...]
  eqT = eqT_ref[...]
  s = sums_ref[0:1, :] + jnp.sum(ecT, 0, keepdims=True)
  sq = sums_ref[1:2, :] + jnp.sum(ecT * ecT, 0, keepdims=True)
  mu = s * (1.0 / D_TOT)
  var = sq * (1.0 / D_TOT) - mu * mu
  inv = lax.rsqrt(var + 1e-5)

  g = gamma_ref[...]
  bt = beta_ref[...]
  out_ref[0:D_CAT, :] = ((ecT - mu) * inv) * g[0:D_CAT] + bt[0:D_CAT]
  out_ref[D_CAT:D_CAT + D_NUM, :] = (
      ((enT - mu) * inv) * g[D_CAT:D_CAT + D_NUM] + bt[D_CAT:D_CAT + D_NUM])
  out_ref[D_CAT + D_NUM:D_TOT, :] = (
      ((eqT - mu) * inv) * g[D_CAT + D_NUM:D_TOT] + bt[D_CAT + D_NUM:D_TOT])


def _tc_ln(ecatT, enT, eqT, sums, gamma, beta):
  BLK = 2048
  grid = (BATCH // BLK,)
  full = lambda shape: pl.BlockSpec(shape, lambda i: (0, 0))
  return pl.pallas_call(
      _ln_body,
      grid=grid,
      in_specs=[
          pl.BlockSpec((D_CAT, BLK), lambda i: (0, i)),
          pl.BlockSpec((D_NUM, BLK), lambda i: (0, i)),
          pl.BlockSpec((D_QUAL, BLK), lambda i: (0, i)),
          pl.BlockSpec((8, BLK), lambda i: (0, i)),
          full((D_TOT, 1)),
          full((D_TOT, 1)),
      ],
      out_specs=pl.BlockSpec((D_TOT, BLK), lambda i: (0, i)),
      out_shape=jax.ShapeDtypeStruct((D_TOT, BATCH), jnp.float32),
  )(ecatT, enT, eqT, sums, gamma, beta)


def kernel(cats, nums, quals, tables, W1, b1, W2, b2, Wq, bq, gamma, beta):
  cats = cats.astype(jnp.int32)
  tab_t = tables.transpose(0, 2, 1)
  ecatT = _sc_gather_t(cats, tab_t)
  enT, eqT, sums = _tc_mlp(
      nums.T, quals.T, W1, b1.reshape(-1, 1), W2, b2.reshape(-1, 1),
      Wq, bq.reshape(-1, 1))
  outT = _tc_ln(ecatT, enT, eqT, sums, gamma.reshape(-1, 1),
                beta.reshape(-1, 1))
  return outT.T

# --- scband reference (transcript-rebuilt; emitter-appended) ---
"""Pipeline reference for scband-token-encoder-33303176413193 (READ-ONLY COPY).

The authoritative reference and input builder live on the scoring server;
editing this copy changes nothing except your own understanding.
"""

import jax, jax.numpy as jnp
import numpy as np

F_FIELDS = 26
VOCAB = 100000
BATCH = 16384
D_CAT = 32
K_NUM = 64
D_NUM = 64
Q_QUAL = 24
D_QUAL = 24
D_TOT = D_CAT + D_NUM + D_QUAL  # 120


def setup_inputs(seed: int = 0) -> dict:
    key = jax.random.key(seed)
    ks = jax.random.split(key, 10)
    cats = jax.random.randint(ks[0], (F_FIELDS, BATCH), 0, VOCAB, dtype=jnp.int64 if jax.config.jax_enable_x64 else jnp.int32)
    nums = jax.random.normal(ks[1], (BATCH, K_NUM), dtype=jnp.float32)
    quals = jax.random.normal(ks[2], (BATCH, Q_QUAL), dtype=jnp.float32)
    tables = jax.random.normal(ks[3], (F_FIELDS, VOCAB, D_CAT), dtype=jnp.float32)
    W1 = jax.random.normal(ks[4], (K_NUM, 64), dtype=jnp.float32) * (1.0 / np.sqrt(K_NUM))
    b1 = jnp.zeros((64,), dtype=jnp.float32)
    W2 = jax.random.normal(ks[5], (64, D_NUM), dtype=jnp.float32) * (1.0 / np.sqrt(64))
    b2 = jnp.zeros((D_NUM,), dtype=jnp.float32)
    Wq = jax.random.normal(ks[6], (Q_QUAL, D_QUAL), dtype=jnp.float32) * (1.0 / np.sqrt(Q_QUAL))
    bq = jnp.zeros((D_QUAL,), dtype=jnp.float32)
    gamma = jnp.ones((D_TOT,), dtype=jnp.float32)
    beta = jnp.zeros((D_TOT,), dtype=jnp.float32)
    return {"cats": cats, "nums": nums, "quals": quals, "tables": tables,
            "W1": W1, "b1": b1, "W2": W2, "b2": b2, "Wq": Wq, "bq": bq,
            "gamma": gamma, "beta": beta}


def reference(cats, nums, quals, tables, W1, b1, W2, b2, Wq, bq, gamma, beta):
    # e_cats = sum over factors f of embs[f](cats[f])  -- 26 gathers + accumulate
    gathered = jax.vmap(lambda t, i: jnp.take(t, i, axis=0))(tables, cats)  # [F, B, D_CAT]
    e_cats = jnp.sum(gathered, axis=0)  # [B, D_CAT]
    # num_proj: Linear -> ReLU -> Linear
    h = jax.nn.relu(nums @ W1 + b1)
    e_num = h @ W2 + b2
    # qual_proj: Linear
    e_qual = quals @ Wq + bq
    e = jnp.concatenate([e_cats, e_num, e_qual], axis=-1)  # [B, 120]
    # LayerNorm
    mu = jnp.mean(e, axis=-1, keepdims=True)
    var = jnp.var(e, axis=-1, keepdims=True)
    e_hat = (e - mu) / jnp.sqrt(var + 1e-5)
    return e_hat * gamma + beta

if __name__ == "__main__":
    import jax
    _d = setup_inputs()
    print(jax.jit(kernel)(*tuple(_d.values())))

</pallas_src>

<mosaic_0001>
#map = affine_map<(d0, d1) -> (0, 0)>
#map1 = affine_map<(d0, d1) -> (0, 0, 0)>
module attributes {stable_mosaic.version = 14 : i64} {
  func.func @_sc_body(%arg0: i32, %arg1: i32, %arg2: memref<26x16384xi32, #tpu.memory_space<hbm>>, %arg3: memref<26x32x100000xf32, #tpu.memory_space<hbm>>, %arg4: memref<32x16384xf32, #tpu.memory_space<hbm>>, %arg5: memref<100000xf32, #tpu.memory_space<vmem>>, %arg6: memref<16384xf32, #tpu.memory_space<vmem>>, %arg7: memref<2x4096xi32, #tpu.memory_space<vmem>>, %arg8: memref<2x16384xi32, #tpu.memory_space<vmem_shared>>, %arg9: memref<!tpu.dma_semaphore, #tpu.memory_space<semaphore_mem>>, %arg10: memref<2x!tpu.dma_semaphore, #tpu.memory_space<semaphore_mem>>) attributes {dimension_semantics = [#tpu.dimension_semantics<core_parallel>, #tpu.dimension_semantics<subcore_parallel>], iteration_bounds = array<i64: 2, 16>, scalar_prefetch = 0 : i64, scratch_operands = 6 : i64, tpu.core_type = #tpu.core_type<sc_vector_subcore>, window_params = [{transform_indices = #map}, {transform_indices = #map1}, {transform_indices = #map}]} {
    %mul3A = arith.constant 2 : i32
    %mul3A_0 = arith.muli %arg1, %mul3A : i32
    %add3A = arith.addi %mul3A_0, %arg0 : i32
    %dma_start3A = arith.constant 0 : i32
    %dma_start3A_1 = arith.constant 0 : i32
    %dma_start3A_2 = tpu.memref_slice %arg3[%dma_start3A, %add3A, %dma_start3A_1] : memref<26x32x100000xf32, #tpu.memory_space<hbm>> -> memref<1x1x100000xf32, #tpu.memory_space<hbm>>
    %dma_start3A_3 = tpu.memref_squeeze %dma_start3A_2 : memref<1x1x100000xf32, #tpu.memory_space<hbm>> -> memref<100000xf32, #tpu.memory_space<hbm>>
    %dma_start3A_4 = arith.constant 0 : i32
    %dma_start3A_5 = tpu.memref_slice %arg3[%dma_start3A, %add3A, %dma_start3A_4] : memref<26x32x100000xf32, #tpu.memory_space<hbm>> -> memref<1x1x100000xf32, #tpu.memory_space<hbm>>
    %dma_start3A_6 = tpu.memref_squeeze %dma_start3A_5 : memref<1x1x100000xf32, #tpu.memory_space<hbm>> -> memref<100000xf32, #tpu.memory_space<hbm>>
    tpu.enqueue_dma source(%dma_start3A_6 : memref<100000xf32, #tpu.memory_space<hbm>>) target(%arg5 : memref<100000xf32, #tpu.memory_space<vmem>>) target_semaphore(%arg9 : memref<!tpu.dma_semaphore, #tpu.memory_space<semaphore_mem>>)
    %eq3A = arith.constant 0 : i32
    %eq3A_7 = arith.cmpi eq, %arg1, %eq3A : i32
    %convert_element_type3A = arith.extui %eq3A_7 : i1 to i32
    %cond3A = arith.constant 0 : i32
    %cond3A_8 = arith.cmpi ne, %convert_element_type3A, %cond3A : i32
    scf.if %cond3A_8 {
      %run_scoped3A = arith.constant 0 : i32
      %run_scoped3A_33 = arith.constant 0 : i32
      "tpu.region"() ({
        %run_scoped3A_34 = tpu.sem_alloc : memref<!tpu.dma_semaphore, #tpu.memory_space<semaphore_mem>>
        %dma_start3A_35 = arith.constant 0 : i32
        %dma_start3A_36 = tpu.memref_slice %arg8[%run_scoped3A_33, %dma_start3A_35] : memref<2x16384xi32, #tpu.memory_space<vmem_shared>> -> memref<1x16384xi32, #tpu.memory_space<vmem_shared>>
        %dma_start3A_37 = tpu.memref_squeeze %dma_start3A_36 : memref<1x16384xi32, #tpu.memory_space<vmem_shared>> -> memref<16384xi32, #tpu.memory_space<vmem_shared>>
        %dma_start3A_38 = arith.constant 0 : i32
        %dma_start3A_39 = tpu.memref_slice %arg2[%run_scoped3A, %dma_start3A_38] : memref<26x16384xi32, #tpu.memory_space<hbm>> -> memref<1x16384xi32, #tpu.memory_space<hbm>>
        %dma_start3A_40 = tpu.memref_squeeze %dma_start3A_39 : memref<1x16384xi32, #tpu.memory_space<hbm>> -> memref<16384xi32, #tpu.memory_space<hbm>>
        tpu.enqueue_dma source(%dma_start3A_40 : memref<16384xi32, #tpu.memory_space<hbm>>) target(%dma_start3A_37 : memref<16384xi32, #tpu.memory_space<vmem_shared>>) target_semaphore(%run_scoped3A_34 : memref<!tpu.dma_semaphore, #tpu.memory_space<semaphore_mem>>)
        %dma_wait3A = arith.constant 0 : i32
        %dma_wait3A_41 = tpu.memref_slice %arg8[%run_scoped3A_33, %dma_wait3A] : memref<2x16384xi32, #tpu.memory_space<vmem_shared>> -> memref<1x16384xi32, #tpu.memory_space<vmem_shared>>
        %dma_wait3A_42 = tpu.memref_squeeze %dma_wait3A_41 : memref<1x16384xi32, #tpu.memory_space<vmem_shared>> -> memref<16384xi32, #tpu.memory_space<vmem_shared>>
        %dma_wait3A_43 = arith.constant 0 : i32
        %dma_wait3A_44 = tpu.memref_slice %arg2[%run_scoped3A, %dma_wait3A_43] : memref<26x16384xi32, #tpu.memory_space<hbm>> -> memref<1x16384xi32, #tpu.memory_space<hbm>>
        %dma_wait3A_45 = tpu.memref_squeeze %dma_wait3A_44 : memref<1x16384xi32, #tpu.memory_space<hbm>> -> memref<16384xi32, #tpu.memory_space<hbm>>
        tpu.wait_dma2 semaphore(%run_scoped3A_34 : memref<!tpu.dma_semaphore, #tpu.memory_space<semaphore_mem>>) src(%dma_wait3A_45 : memref<16384xi32, #tpu.memory_space<hbm>>) dst(%dma_wait3A_42 : memref<16384xi32, #tpu.memory_space<vmem_shared>>)
        tpu.yield
      }) : () -> ()
    } else {
    }
    %broadcast_in_dim3A = arith.constant 0.000000e+00 : f32
    %broadcast_in_dim3A_9 = vector.broadcast %broadcast_in_dim3A : f32 to vector<16xf32>
    %parallel_loop3A = arith.constant 0 : i32
    %parallel_loop3A_10 = arith.constant 1024 : i32
    %parallel_loop3A_11 = arith.constant 1 : i32
    scf.for %parallel_loop3A_33 = %parallel_loop3A to %parallel_loop3A_10 step %parallel_loop3A_11  : i32 {
      %parallel_loop3A_34 = arith.constant 16 : i32
      %parallel_loop3A_35 = arith.muli %parallel_loop3A_33, %parallel_loop3A_34 : i32
      %parallel_loop3A_36 = arith.index_cast %parallel_loop3A_35 : i32 to index
      %parallel_loop3A_37 = tpu.vector_load %arg6[%parallel_loop3A_36] {strides = array<i32>} : memref<16384xf32, #tpu.memory_space<vmem>>, vector<16xf32>,
      tpu.vector_store %arg6[%parallel_loop3A_36], %broadcast_in_dim3A_9 {strides = array<i32>} : memref<16384xf32, #tpu.memory_space<vmem>>, vector<16xf32>,
    } {sc.loop_unroll_factor = 8 : i64, sc.parallel_access}
    %barrier3A = arith.constant 0 : index
    tpu.barrier barrier_id(%barrier3A)
    %dma_start3A_12 = arith.constant 0 : i32
    %dma_start3A_13 = arith.constant 0 : i32
    %dma_start3A_14 = arith.constant 0 : i32
    %dma_start3A_15 = arith.constant 0 : i32
    %dma_start3A_16 = tpu.memref_slice %arg7[%dma_start3A_13, %dma_start3A_15] : memref<2x4096xi32, #tpu.memory_space<vmem>> -> memref<1x4096xi32, #tpu.memory_space<vmem>>
    %dma_start3A_17 = tpu.memref_squeeze %dma_start3A_16 : memref<1x4096xi32, #tpu.memory_space<vmem>> -> memref<4096xi32, #tpu.memory_space<vmem>>
    %dma_start3A_18 = arith.constant 0 : i32
    %dma_start3A_19 = tpu.memref_slice %arg8[%dma_start3A_12, %dma_start3A_18] : memref<2x16384xi32, #tpu.memory_space<vmem_shared>> -> memref<1x4096xi32, #tpu.memory_space<vmem_shared>>
    %dma_start3A_20 = tpu.memref_squeeze %dma_start3A_19 : memref<1x4096xi32, #tpu.memory_space<vmem_shared>> -> memref<4096xi32, #tpu.memory_space<vmem_shared>>
    %dma_start3A_21 = tpu.memref_slice %arg10[%dma_start3A_14] : memref<2x!tpu.dma_semaphore, #tpu.memory_space<semaphore_mem>> -> memref<1x!tpu.dma_semaphore, #tpu.memory_space<semaphore_mem>>
    %dma_start3A_22 = tpu.memref_squeeze %dma_start3A_21 : memref<1x!tpu.dma_semaphore, #tpu.memory_space<semaphore_mem>> -> memref<!tpu.dma_semaphore, #tpu.memory_space<semaphore_mem>>
    %dma_start3A_23 = arith.constant 0 : i32
    %dma_start3A_24 = tpu.memref_slice %arg7[%dma_start3A_13, %dma_start3A_23] : memref<2x4096xi32, #tpu.memory_space<vmem>> -> memref<1x4096xi32, #tpu.memory_space<vmem>>
    %dma_start3A_25 = tpu.memref_squeeze %dma_start3A_24 : memref<1x4096xi32, #tpu.memory_space<vmem>> -> memref<4096xi32, #tpu.memory_space<vmem>>
    %dma_start3A_26 = arith.constant 0 : i32
    %dma_start3A_27 = tpu.memref_slice %arg8[%dma_start3A_12, %dma_start3A_26] : memref<2x16384xi32, #tpu.memory_space<vmem_shared>> -> memref<1x4096xi32, #tpu.memory_space<vmem_shared>>
    %dma_start3A_28 = tpu.memref_squeeze %dma_start3A_27 : memref<1x4096xi32, #tpu.memory_space<vmem_shared>> -> memref<4096xi32, #tpu.memory_space<vmem_shared>>
    tpu.enqueue_dma source(%dma_start3A_28 : memref<4096xi32, #tpu.memory_space<vmem_shared>>) target(%dma_start3A_25 : memref<4096xi32, #tpu.memory_space<vmem>>) target_semaphore(%dma_start3A_22 : memref<!tpu.dma_semaphore, #tpu.memory_space<semaphore_mem>>)
    %scan3A = arith.constant 0 : i32
    %scan3A_29 = arith.constant 26 : i32
    %scan3A_30 = arith.addi %scan3A, %scan3A_29 : i32
    %scan3A_31 = arith.constant 1 : i32
    scf.for %scan3A_33 = %scan3A to %scan3A_30 step %scan3A_31  : i32 {
      %mul3A_34 = arith.constant 1 : i32
      %mul3A_35 = arith.muli %scan3A_33, %mul3A_34 : i32
      %add3A_36 = arith.constant 0 : i32
      %add3A_37 = arith.addi %add3A_36, %mul3A_35 : i32
      %rem3A = arith.constant 2 : i32
      %rem3A_38 = arith.remsi %add3A_37, %rem3A : i32
      %eq3A_39 = arith.constant 0 : i32
      %eq3A_40 = arith.cmpi eq, %arg1, %eq3A_39 : i32
      %add3A_41 = arith.constant 1 : i32
      %add3A_42 = arith.addi %add3A_37, %add3A_41 : i32
      %lt3A = arith.constant 26 : i32
      %lt3A_43 = arith.cmpi slt, %add3A_42, %lt3A : i32
      %and3A = arith.andi %eq3A_40, %lt3A_43 : i1
      %convert_element_type3A_44 = arith.extui %and3A : i1 to i32
      %cond3A_45 = arith.constant 0 : i32
      %cond3A_46 = arith.cmpi ne, %convert_element_type3A_44, %cond3A_45 : i32
      scf.if %cond3A_46 {
        %add3A_191 = arith.constant 1 : i32
        %add3A_192 = arith.addi %add3A_37, %add3A_191 : i32
        %sub3A = arith.constant 1 : i32
        %sub3A_193 = arith.subi %sub3A, %rem3A_38 : i32
        "tpu.region"() ({
          %run_scoped3A = tpu.sem_alloc : memref<!tpu.dma_semaphore, #tpu.memory_space<semaphore_mem>>
          %dma_start3A_194 = arith.constant 0 : i32
          %dma_start3A_195 = tpu.memref_slice %arg8[%sub3A_193, %dma_start3A_194] : memref<2x16384xi32, #tpu.memory_space<vmem_shared>> -> memref<1x16384xi32, #tpu.memory_space<vmem_shared>>
          %dma_start3A_196 = tpu.memref_squeeze %dma_start3A_195 : memref<1x16384xi32, #tpu.memory_space<vmem_shared>> -> memref<16384xi32, #tpu.memory_space<vmem_shared>>
          %dma_start3A_197 = arith.constant 0 : i32
          %dma_start3A_198 = tpu.memref_slice %arg2[%add3A_192, %dma_start3A_197] : memref<26x16384xi32, #tpu.memory_space<hbm>> -> memref<1x16384xi32, #tpu.memory_space<hbm>>
          %dma_start3A_199 = tpu.memref_squeeze %dma_start3A_198 : memref<1x16384xi32, #tpu.memory_space<hbm>> -> memref<16384xi32, #tpu.memory_space<hbm>>
          tpu.enqueue_dma source(%dma_start3A_199 : memref<16384xi32, #tpu.memory_space<hbm>>) target(%dma_start3A_196 : memref<16384xi32, #tpu.memory_space<vmem_shared>>) target_semaphore(%run_scoped3A : memref<!tpu.dma_semaphore, #tpu.memory_space<semaphore_mem>>)
          %dma_wait3A_200 = arith.constant 0 : i32
          %dma_wait3A_201 = tpu.memref_slice %arg8[%sub3A_193, %dma_wait3A_200] : memref<2x16384xi32, #tpu.memory_space<vmem_shared>> -> memref<1x16384xi32, #tpu.memory_space<vmem_shared>>
          %dma_wait3A_202 = tpu.memref_squeeze %dma_wait3A_201 : memref<1x16384xi32, #tpu.memory_space<vmem_shared>> -> memref<16384xi32, #tpu.memory_space<vmem_shared>>
          %dma_wait3A_203 = arith.constant 0 : i32
          %dma_wait3A_204 = tpu.memref_slice %arg2[%add3A_192, %dma_wait3A_203] : memref<26x16384xi32, #tpu.memory_space<hbm>> -> memref<1x16384xi32, #tpu.memory_space<hbm>>
          %dma_wait3A_205 = tpu.memref_squeeze %dma_wait3A_204 : memref<1x16384xi32, #tpu.memory_space<hbm>> -> memref<16384xi32, #tpu.memory_space<hbm>>
          tpu.wait_dma2 semaphore(%run_scoped3A : memref<!tpu.dma_semaphore, #tpu.memory_space<semaphore_mem>>) src(%dma_wait3A_205 : memref<16384xi32, #tpu.memory_space<hbm>>) dst(%dma_wait3A_202 : memref<16384xi32, #tpu.memory_space<vmem_shared>>)
          tpu.yield
        }) : () -> ()
      } else {
      }
      %dma_wait3A = arith.constant 0 : i32
      %dma_wait3A_47 = tpu.memref_slice %arg3[%add3A_37, %add3A, %dma_wait3A] : memref<26x32x100000xf32, #tpu.memory_space<hbm>> -> memref<1x1x100000xf32, #tpu.memory_space<hbm>>
      %dma_wait3A_48 = tpu.memref_squeeze %dma_wait3A_47 : memref<1x1x100000xf32, #tpu.memory_space<hbm>> -> memref<100000xf32, #tpu.memory_space<hbm>>
      %dma_wait3A_49 = arith.constant 0 : i32
      %dma_wait3A_50 = tpu.memref_slice %arg3[%add3A_37, %add3A, %dma_wait3A_49] : memref<26x32x100000xf32, #tpu.memory_space<hbm>> -> memref<1x1x100000xf32, #tpu.memory_space<hbm>>
      %dma_wait3A_51 = tpu.memref_squeeze %dma_wait3A_50 : memref<1x1x100000xf32, #tpu.memory_space<hbm>> -> memref<100000xf32, #tpu.memory_space<hbm>>
      tpu.wait_dma2 semaphore(%arg9 : memref<!tpu.dma_semaphore, #tpu.memory_space<semaphore_mem>>) src(%dma_wait3A_51 : memref<100000xf32, #tpu.memory_space<hbm>>) dst(%arg5 : memref<100000xf32, #tpu.memory_space<vmem>>)
      %dma_start3A_52 = arith.constant 1 : i32
      %dma_start3A_53 = arith.constant 1 : i32
      %dma_start3A_54 = arith.constant 0 : i32
      %dma_start3A_55 = tpu.memref_slice %arg7[%dma_start3A_52, %dma_start3A_54] : memref<2x4096xi32, #tpu.memory_space<vmem>> -> memref<1x4096xi32, #tpu.memory_space<vmem>>
      %dma_start3A_56 = tpu.memref_squeeze %dma_start3A_55 : memref<1x4096xi32, #tpu.memory_space<vmem>> -> memref<4096xi32, #tpu.memory_space<vmem>>
      %dma_start3A_57 = arith.constant 4096 : i32
      %dma_start3A_58 = tpu.memref_slice %arg8[%rem3A_38, %dma_start3A_57] : memref<2x16384xi32, #tpu.memory_space<vmem_shared>> -> memref<1x4096xi32, #tpu.memory_space<vmem_shared>>
      %dma_start3A_59 = tpu.memref_squeeze %dma_start3A_58 : memref<1x4096xi32, #tpu.memory_space<vmem_shared>> -> memref<4096xi32, #tpu.memory_space<vmem_shared>>
      %dma_start3A_60 = tpu.memref_slice %arg10[%dma_start3A_53] : memref<2x!tpu.dma_semaphore, #tpu.memory_space<semaphore_mem>> -> memref<1x!tpu.dma_semaphore, #tpu.memory_space<semaphore_mem>>
      %dma_start3A_61 = tpu.memref_squeeze %dma_start3A_60 : memref<1x!tpu.dma_semaphore, #tpu.memory_space<semaphore_mem>> -> memref<!tpu.dma_semaphore, #tpu.memory_space<semaphore_mem>>
      %dma_start3A_62 = arith.constant 0 : i32
      %dma_start3A_63 = tpu.memref_slice %arg7[%dma_start3A_52, %dma_start3A_62] : memref<2x4096xi32, #tpu.memory_space<vmem>> -> memref<1x4096xi32, #tpu.memory_space<vmem>>
      %dma_start3A_64 = tpu.memref_squeeze %dma_start3A_63 : memref<1x4096xi32, #tpu.memory_space<vmem>> -> memref<4096xi32, #tpu.memory_space<vmem>>
      %dma_start3A_65 = arith.constant 4096 : i32
      %dma_start3A_66 = tpu.memref_slice %arg8[%rem3A_38, %dma_start3A_65] : memref<2x16384xi32, #tpu.memory_space<vmem_shared>> -> memref<1x4096xi32, #tpu.memory_space<vmem_shared>>
      %dma_start3A_67 = tpu.memref_squeeze %dma_start3A_66 : memref<1x4096xi32, #tpu.memory_space<vmem_shared>> -> memref<4096xi32, #tpu.memory_space<vmem_shared>>
      tpu.enqueue_dma source(%dma_start3A_67 : memref<4096xi32, #tpu.memory_space<vmem_shared>>) target(%dma_start3A_64 : memref<4096xi32, #tpu.memory_space<vmem>>) target_semaphore(%dma_start3A_61 : memref<!tpu.dma_semaphore, #tpu.memory_space<semaphore_mem>>)
      %dma_wait3A_68 = arith.constant 0 : i32
      %dma_wait3A_69 = arith.constant 0 : i32
      %dma_wait3A_70 = arith.constant 0 : i32
      %dma_wait3A_71 = tpu.memref_slice %arg7[%dma_wait3A_68, %dma_wait3A_70] : memref<2x4096xi32, #tpu.memory_space<vmem>> -> memref<1x4096xi32, #tpu.memory_space<vmem>>
      %dma_wait3A_72 = tpu.memref_squeeze %dma_wait3A_71 : memref<1x4096xi32, #tpu.memory_space<vmem>> -> memref<4096xi32, #tpu.memory_space<vmem>>
      %dma_wait3A_73 = arith.constant 0 : i32
      %dma_wait3A_74 = tpu.memref_slice %arg8[%rem3A_38, %dma_wait3A_73] : memref<2x16384xi32, #tpu.memory_space<vmem_shared>> -> memref<1x4096xi32, #tpu.memory_space<vmem_shared>>
      %dma_wait3A_75 = tpu.memref_squeeze %dma_wait3A_74 : memref<1x4096xi32, #tpu.memory_space<vmem_shared>> -> memref<4096xi32, #tpu.memory_space<vmem_shared>>
      %dma_wait3A_76 = tpu.memref_slice %arg10[%dma_wait3A_69] : memref<2x!tpu.dma_semaphore, #tpu.memory_space<semaphore_mem>> -> memref<1x!tpu.dma_semaphore, #tpu.memory_space<semaphore_mem>>
      %dma_wait3A_77 = tpu.memref_squeeze %dma_wait3A_76 : memref<1x!tpu.dma_semaphore, #tpu.memory_space<semaphore_mem>> -> memref<!tpu.dma_semaphore, #tpu.memory_space<semaphore_mem>>
      %dma_wait3A_78 = arith.constant 0 : i32
      %dma_wait3A_79 = tpu.memref_slice %arg7[%dma_wait3A_68, %dma_wait3A_78] : memref<2x4096xi32, #tpu.memory_space<vmem>> -> memref<1x4096xi32, #tpu.memory_space<vmem>>
      %dma_wait3A_80 = tpu.memref_squeeze %dma_wait3A_79 : memref<1x4096xi32, #tpu.memory_space<vmem>> -> memref<4096xi32, #tpu.memory_space<vmem>>
      %dma_wait3A_81 = arith.constant 0 : i32
      %dma_wait3A_82 = tpu.memref_slice %arg8[%rem3A_38, %dma_wait3A_81] : memref<2x16384xi32, #tpu.memory_space<vmem_shared>> -> memref<1x4096xi32, #tpu.memory_space<vmem_shared>>
      %dma_wait3A_83 = tpu.memref_squeeze %dma_wait3A_82 : memref<1x4096xi32, #tpu.memory_space<vmem_shared>> -> memref<4096xi32, #tpu.memory_space<vmem_shared>>
      tpu.wait_dma2 semaphore(%dma_wait3A_77 : memref<!tpu.dma_semaphore, #tpu.memory_space<semaphore_mem>>) src(%dma_wait3A_83 : memref<4096xi32, #tpu.memory_space<vmem_shared>>) dst(%dma_wait3A_80 : memref<4096xi32, #tpu.memory_space<vmem>>)
      %parallel_loop3A_84 = arith.constant 0 : i32
      %parallel_loop3A_85 = arith.constant 256 : i32
      %parallel_loop3A_86 = arith.constant 1 : i32
      scf.for %parallel_loop3A_191 = %parallel_loop3A_84 to %parallel_loop3A_85 step %parallel_loop3A_86  : i32 {
        %parallel_loop3A_192 = arith.constant 16 : i32
        %parallel_loop3A_193 = arith.muli %parallel_loop3A_191, %parallel_loop3A_192 : i32
        %parallel_loop3A_194 = arith.constant 0 : i32
        %parallel_loop3A_195 = arith.index_cast %parallel_loop3A_194 : i32 to index
        %parallel_loop3A_196 = arith.index_cast %parallel_loop3A_193 : i32 to index
        %parallel_loop3A_197 = tpu.vector_load %arg7[%parallel_loop3A_195, %parallel_loop3A_196] {strides = array<i32>} : memref<2x4096xi32, #tpu.memory_space<vmem>>, vector<16xi32>,
        %parallel_loop3A_198 = tpu.vector_load_idx %arg5[%parallel_loop3A_197] : memref<100000xf32, #tpu.memory_space<vmem>>[vector<16xi32>], vector<16xf32>,
        %parallel_loop3A_199 = arith.constant 16 : i32
        %parallel_loop3A_200 = arith.muli %parallel_loop3A_191, %parallel_loop3A_199 : i32
        %parallel_loop3A_201 = arith.constant 0 : i32
        %parallel_loop3A_202 = arith.addi %parallel_loop3A_201, %parallel_loop3A_200 : i32
        %parallel_loop3A_203 = arith.index_cast %parallel_loop3A_202 : i32 to index
        %parallel_loop3A_204 = tpu.vector_load %arg6[%parallel_loop3A_203] {strides = array<i32>} : memref<16384xf32, #tpu.memory_space<vmem>>, vector<16xf32>,
        tpu.vector_store %arg6[%parallel_loop3A_203], %parallel_loop3A_198 {add = true, strides = array<i32>} : memref<16384xf32, #tpu.memory_space<vmem>>, vector<16xf32>,
      } {sc.loop_unroll_factor = 8 : i64, sc.parallel_access}
      %dma_start3A_87 = arith.constant 0 : i32
      %dma_start3A_88 = arith.constant 0 : i32
      %dma_start3A_89 = arith.constant 0 : i32
      %dma_start3A_90 = tpu.memref_slice %arg7[%dma_start3A_87, %dma_start3A_89] : memref<2x4096xi32, #tpu.memory_space<vmem>> -> memref<1x4096xi32, #tpu.memory_space<vmem>>
      %dma_start3A_91 = tpu.memref_squeeze %dma_start3A_90 : memref<1x4096xi32, #tpu.memory_space<vmem>> -> memref<4096xi32, #tpu.memory_space<vmem>>
      %dma_start3A_92 = arith.constant 8192 : i32
      %dma_start3A_93 = tpu.memref_slice %arg8[%rem3A_38, %dma_start3A_92] : memref<2x16384xi32, #tpu.memory_space<vmem_shared>> -> memref<1x4096xi32, #tpu.memory_space<vmem_shared>>
      %dma_start3A_94 = tpu.memref_squeeze %dma_start3A_93 : memref<1x4096xi32, #tpu.memory_space<vmem_shared>> -> memref<4096xi32, #tpu.memory_space<vmem_shared>>
      %dma_start3A_95 = tpu.memref_slice %arg10[%dma_start3A_88] : memref<2x!tpu.dma_semaphore, #tpu.memory_space<semaphore_mem>> -> memref<1x!tpu.dma_semaphore, #tpu.memory_space<semaphore_mem>>
      %dma_start3A_96 = tpu.memref_squeeze %dma_start3A_95 : memref<1x!tpu.dma_semaphore, #tpu.memory_space<semaphore_mem>> -> memref<!tpu.dma_semaphore, #tpu.memory_space<semaphore_mem>>
      %dma_start3A_97 = arith.constant 0 : i32
      %dma_start3A_98 = tpu.memref_slice %arg7[%dma_start3A_87, %dma_start3A_97] : memref<2x4096xi32, #tpu.memory_space<vmem>> -> memref<1x4096xi32, #tpu.memory_space<vmem>>
      %dma_start3A_99 = tpu.memref_squeeze %dma_start3A_98 : memref<1x4096xi32, #tpu.memory_space<vmem>> -> memref<4096xi32, #tpu.memory_space<vmem>>
      %dma_start3A_100 = arith.constant 8192 : i32
      %dma_start3A_101 = tpu.memref_slice %arg8[%rem3A_38, %dma_start3A_100] : memref<2x16384xi32, #tpu.memory_space<vmem_shared>> -> memref<1x4096xi32, #tpu.memory_space<vmem_shared>>
      %dma_start3A_102 = tpu.memref_squeeze %dma_start3A_101 : memref<1x4096xi32, #tpu.memory_space<vmem_shared>> -> memref<4096xi32, #tpu.memory_space<vmem_shared>>
      tpu.enqueue_dma source(%dma_start3A_102 : memref<4096xi32, #tpu.memory_space<vmem_shared>>) target(%dma_start3A_99 : memref<4096xi32, #tpu.memory_space<vmem>>) target_semaphore(%dma_start3A_96 : memref<!tpu.dma_semaphore, #tpu.memory_space<semaphore_mem>>)
      %dma_wait3A_103 = arith.constant 1 : i32
      %dma_wait3A_104 = arith.constant 1 : i32
      %dma_wait3A_105 = arith.constant 0 : i32
      %dma_wait3A_106 = tpu.memref_slice %arg7[%dma_wait3A_103, %dma_wait3A_105] : memref<2x4096xi32, #tpu.memory_space<vmem>> -> memref<1x4096xi32, #tpu.memory_space<vmem>>
      %dma_wait3A_107 = tpu.memref_squeeze %dma_wait3A_106 : memref<1x4096xi32, #tpu.memory_space<vmem>> -> memref<4096xi32, #tpu.memory_space<vmem>>
      %dma_wait3A_108 = arith.constant 4096 : i32
      %dma_wait3A_109 = tpu.memref_slice %arg8[%rem3A_38, %dma_wait3A_108] : memref<2x16384xi32, #tpu.memory_space<vmem_shared>> -> memref<1x4096xi32, #tpu.memory_space<vmem_shared>>
      %dma_wait3A_110 = tpu.memref_squeeze %dma_wait3A_109 : memref<1x4096xi32, #tpu.memory_space<vmem_shared>> -> memref<4096xi32, #tpu.memory_space<vmem_shared>>
      %dma_wait3A_111 = tpu.memref_slice %arg10[%dma_wait3A_104] : memref<2x!tpu.dma_semaphore, #tpu.memory_space<semaphore_mem>> -> memref<1x!tpu.dma_semaphore, #tpu.memory_space<semaphore_mem>>
      %dma_wait3A_112 = tpu.memref_squeeze %dma_wait3A_111 : memref<1x!tpu.dma_semaphore, #tpu.memory_space<semaphore_mem>> -> memref<!tpu.dma_semaphore, #tpu.memory_space<semaphore_mem>>
      %dma_wait3A_113 = arith.constant 0 : i32
      %dma_wait3A_114 = tpu.memref_slice %arg7[%dma_wait3A_103, %dma_wait3A_113] : memref<2x4096xi32, #tpu.memory_space<vmem>> -> memref<1x4096xi32, #tpu.memory_space<vmem>>
      %dma_wait3A_115 = tpu.memref_squeeze %dma_wait3A_114 : memref<1x4096xi32, #tpu.memory_space<vmem>> -> memref<4096xi32, #tpu.memory_space<vmem>>
      %dma_wait3A_116 = arith.constant 4096 : i32
      %dma_wait3A_117 = tpu.memref_slice %arg8[%rem3A_38, %dma_wait3A_116] : memref<2x16384xi32, #tpu.memory_space<vmem_shared>> -> memref<1x4096xi32, #tpu.memory_space<vmem_shared>>
      %dma_wait3A_118 = tpu.memref_squeeze %dma_wait3A_117 : memref<1x4096xi32, #tpu.memory_space<vmem_shared>> -> memref<4096xi32, #tpu.memory_space<vmem_shared>>
      tpu.wait_dma2 semaphore(%dma_wait3A_112 : memref<!tpu.dma_semaphore, #tpu.memory_space<semaphore_mem>>) src(%dma_wait3A_118 : memref<4096xi32, #tpu.memory_space<vmem_shared>>) dst(%dma_wait3A_115 : memref<4096xi32, #tpu.memory_space<vmem>>)
      %parallel_loop3A_119 = arith.constant 0 : i32
      %parallel_loop3A_120 = arith.constant 256 : i32
      %parallel_loop3A_121 = arith.constant 1 : i32
      scf.for %parallel_loop3A_191 = %parallel_loop3A_119 to %parallel_loop3A_120 step %parallel_loop3A_121  : i32 {
        %parallel_loop3A_192 = arith.constant 16 : i32
        %parallel_loop3A_193 = arith.muli %parallel_loop3A_191, %parallel_loop3A_192 : i32
        %parallel_loop3A_194 = arith.constant 1 : i32
        %parallel_loop3A_195 = arith.index_cast %parallel_loop3A_194 : i32 to index
        %parallel_loop3A_196 = arith.index_cast %parallel_loop3A_193 : i32 to index
        %parallel_loop3A_197 = tpu.vector_load %arg7[%parallel_loop3A_195, %parallel_loop3A_196] {strides = array<i32>} : memref<2x4096xi32, #tpu.memory_space<vmem>>, vector<16xi32>,
        %parallel_loop3A_198 = tpu.vector_load_idx %arg5[%parallel_loop3A_197] : memref<100000xf32, #tpu.memory_space<vmem>>[vector<16xi32>], vector<16xf32>,
        %parallel_loop3A_199 = arith.constant 16 : i32
        %parallel_loop3A_200 = arith.muli %parallel_loop3A_191, %parallel_loop3A_199 : i32
        %parallel_loop3A_201 = arith.constant 4096 : i32
        %parallel_loop3A_202 = arith.addi %parallel_loop3A_201, %parallel_loop3A_200 : i32
        %parallel_loop3A_203 = arith.index_cast %parallel_loop3A_202 : i32 to index
        %parallel_loop3A_204 = tpu.vector_load %arg6[%parallel_loop3A_203] {strides = array<i32>} : memref<16384xf32, #tpu.memory_space<vmem>>, vector<16xf32>,
        tpu.vector_store %arg6[%parallel_loop3A_203], %parallel_loop3A_198 {add = true, strides = array<i32>} : memref<16384xf32, #tpu.memory_space<vmem>>, vector<16xf32>,
      } {sc.loop_unroll_factor = 8 : i64, sc.parallel_access}
      %dma_start3A_122 = arith.constant 1 : i32
      %dma_start3A_123 = arith.constant 1 : i32
      %dma_start3A_124 = arith.constant 0 : i32
      %dma_start3A_125 = tpu.memref_slice %arg7[%dma_start3A_122, %dma_start3A_124] : memref<2x4096xi32, #tpu.memory_space<vmem>> -> memref<1x4096xi32, #tpu.memory_space<vmem>>
      %dma_start3A_126 = tpu.memref_squeeze %dma_start3A_125 : memref<1x4096xi32, #tpu.memory_space<vmem>> -> memref<4096xi32, #tpu.memory_space<vmem>>
      %dma_start3A_127 = arith.constant 12288 : i32
      %dma_start3A_128 = tpu.memref_slice %arg8[%rem3A_38, %dma_start3A_127] : memref<2x16384xi32, #tpu.memory_space<vmem_shared>> -> memref<1x4096xi32, #tpu.memory_space<vmem_shared>>
      %dma_start3A_129 = tpu.memref_squeeze %dma_start3A_128 : memref<1x4096xi32, #tpu.memory_space<vmem_shared>> -> memref<4096xi32, #tpu.memory_space<vmem_shared>>
      %dma_start3A_130 = tpu.memref_slice %arg10[%dma_start3A_123] : memref<2x!tpu.dma_semaphore, #tpu.memory_space<semaphore_mem>> -> memref<1x!tpu.dma_semaphore, #tpu.memory_space<semaphore_mem>>
      %dma_start3A_131 = tpu.memref_squeeze %dma_start3A_130 : memref<1x!tpu.dma_semaphore, #tpu.memory_space<semaphore_mem>> -> memref<!tpu.dma_semaphore, #tpu.memory_space<semaphore_mem>>
      %dma_start3A_132 = arith.constant 0 : i32
      %dma_start3A_133 = tpu.memref_slice %arg7[%dma_start3A_122, %dma_start3A_132] : memref<2x4096xi32, #tpu.memory_space<vmem>> -> memref<1x4096xi32, #tpu.memory_space<vmem>>
      %dma_start3A_134 = tpu.memref_squeeze %dma_start3A_133 : memref<1x4096xi32, #tpu.memory_space<vmem>> -> memref<4096xi32, #tpu.memory_space<vmem>>
      %dma_start3A_135 = arith.constant 12288 : i32
      %dma_start3A_136 = tpu.memref_slice %arg8[%rem3A_38, %dma_start3A_135] : memref<2x16384xi32, #tpu.memory_space<vmem_shared>> -> memref<1x4096xi32, #tpu.memory_space<vmem_shared>>
      %dma_start3A_137 = tpu.memref_squeeze %dma_start3A_136 : memref<1x4096xi32, #tpu.memory_space<vmem_shared>> -> memref<4096xi32, #tpu.memory_space<vmem_shared>>
      tpu.enqueue_dma source(%dma_start3A_137 : memref<4096xi32, #tpu.memory_space<vmem_shared>>) target(%dma_start3A_134 : memref<4096xi32, #tpu.memory_space<vmem>>) target_semaphore(%dma_start3A_131 : memref<!tpu.dma_semaphore, #tpu.memory_space<semaphore_mem>>)
      %dma_wait3A_138 = arith.constant 0 : i32
      %dma_wait3A_139 = arith.constant 0 : i32
      %dma_wait3A_140 = arith.constant 0 : i32
      %dma_wait3A_141 = tpu.memref_slice %arg7[%dma_wait3A_138, %dma_wait3A_140] : memref<2x4096xi32, #tpu.memory_space<vmem>> -> memref<1x4096xi32, #tpu.memory_space<vmem>>
      %dma_wait3A_142 = tpu.memref_squeeze %dma_wait3A_141 : memref<1x4096xi32, #tpu.memory_space<vmem>> -> memref<4096xi32, #tpu.memory_space<vmem>>
      %dma_wait3A_143 = arith.constant 8192 : i32
      %dma_wait3A_144 = tpu.memref_slice %arg8[%rem3A_38, %dma_wait3A_143] : memref<2x16384xi32, #tpu.memory_space<vmem_shared>> -> memref<1x4096xi32, #tpu.memory_space<vmem_shared>>
      %dma_wait3A_145 = tpu.memref_squeeze %dma_wait3A_144 : memref<1x4096xi32, #tpu.memory_space<vmem_shared>> -> memref<4096xi32, #tpu.memory_space<vmem_shared>>
      %dma_wait3A_146 = tpu.memref_slice %arg10[%dma_wait3A_139] : memref<2x!tpu.dma_semaphore, #tpu.memory_space<semaphore_mem>> -> memref<1x!tpu.dma_semaphore, #tpu.memory_space<semaphore_mem>>
      %dma_wait3A_147 = tpu.memref_squeeze %dma_wait3A_146 : memref<1x!tpu.dma_semaphore, #tpu.memory_space<semaphore_mem>> -> memref<!tpu.dma_semaphore, #tpu.memory_space<semaphore_mem>>
      %dma_wait3A_148 = arith.constant 0 : i32
      %dma_wait3A_149 = tpu.memref_slice %arg7[%dma_wait3A_138, %dma_wait3A_148] : memref<2x4096xi32, #tpu.memory_space<vmem>> -> memref<1x4096xi32, #tpu.memory_space<vmem>>
      %dma_wait3A_150 = tpu.memref_squeeze %dma_wait3A_149 : memref<1x4096xi32, #tpu.memory_space<vmem>> -> memref<4096xi32, #tpu.memory_space<vmem>>
      %dma_wait3A_151 = arith.constant 8192 : i32
      %dma_wait3A_152 = tpu.memref_slice %arg8[%rem3A_38, %dma_wait3A_151] : memref<2x16384xi32, #tpu.memory_space<vmem_shared>> -> memref<1x4096xi32, #tpu.memory_space<vmem_shared>>
      %dma_wait3A_153 = tpu.memref_squeeze %dma_wait3A_152 : memref<1x4096xi32, #tpu.memory_space<vmem_shared>> -> memref<4096xi32, #tpu.memory_space<vmem_shared>>
      tpu.wait_dma2 semaphore(%dma_wait3A_147 : memref<!tpu.dma_semaphore, #tpu.memory_space<semaphore_mem>>) src(%dma_wait3A_153 : memref<4096xi32, #tpu.memory_space<vmem_shared>>) dst(%dma_wait3A_150 : memref<4096xi32, #tpu.memory_space<vmem>>)
      %parallel_loop3A_154 = arith.constant 0 : i32
      %parallel_loop3A_155 = arith.constant 256 : i32
      %parallel_loop3A_156 = arith.constant 1 : i32
      scf.for %parallel_loop3A_191 = %parallel_loop3A_154 to %parallel_loop3A_155 step %parallel_loop3A_156  : i32 {
        %parallel_loop3A_192 = arith.constant 16 : i32
        %parallel_loop3A_193 = arith.muli %parallel_loop3A_191, %parallel_loop3A_192 : i32
        %parallel_loop3A_194 = arith.constant 0 : i32
        %parallel_loop3A_195 = arith.index_cast %parallel_loop3A_194 : i32 to index
        %parallel_loop3A_196 = arith.index_cast %parallel_loop3A_193 : i32 to index
        %parallel_loop3A_197 = tpu.vector_load %arg7[%parallel_loop3A_195, %parallel_loop3A_196] {strides = array<i32>} : memref<2x4096xi32, #tpu.memory_space<vmem>>, vector<16xi32>,
        %parallel_loop3A_198 = tpu.vector_load_idx %arg5[%parallel_loop3A_197] : memref<100000xf32, #tpu.memory_space<vmem>>[vector<16xi32>], vector<16xf32>,
        %parallel_loop3A_199 = arith.constant 16 : i32
        %parallel_loop3A_200 = arith.muli %parallel_loop3A_191, %parallel_loop3A_199 : i32
        %parallel_loop3A_201 = arith.constant 8192 : i32
        %parallel_loop3A_202 = arith.addi %parallel_loop3A_201, %parallel_loop3A_200 : i32
        %parallel_loop3A_203 = arith.index_cast %parallel_loop3A_202 : i32 to index
        %parallel_loop3A_204 = tpu.vector_load %arg6[%parallel_loop3A_203] {strides = array<i32>} : memref<16384xf32, #tpu.memory_space<vmem>>, vector<16xf32>,
        tpu.vector_store %arg6[%parallel_loop3A_203], %parallel_loop3A_198 {add = true, strides = array<i32>} : memref<16384xf32, #tpu.memory_space<vmem>>, vector<16xf32>,
      } {sc.loop_unroll_factor = 8 : i64, sc.parallel_access}
      %dma_wait3A_157 = arith.constant 1 : i32
      %dma_wait3A_158 = arith.constant 1 : i32
      %dma_wait3A_159 = arith.constant 0 : i32
      %dma_wait3A_160 = tpu.memref_slice %arg7[%dma_wait3A_157, %dma_wait3A_159] : memref<2x4096xi32, #tpu.memory_space<vmem>> -> memref<1x4096xi32, #tpu.memory_space<vmem>>
      %dma_wait3A_161 = tpu.memref_squeeze %dma_wait3A_160 : memref<1x4096xi32, #tpu.memory_space<vmem>> -> memref<4096xi32, #tpu.memory_space<vmem>>
      %dma_wait3A_162 = arith.constant 12288 : i32
      %dma_wait3A_163 = tpu.memref_slice %arg8[%rem3A_38, %dma_wait3A_162] : memref<2x16384xi32, #tpu.memory_space<vmem_shared>> -> memref<1x4096xi32, #tpu.memory_space<vmem_shared>>
      %dma_wait3A_164 = tpu.memref_squeeze %dma_wait3A_163 : memref<1x4096xi32, #tpu.memory_space<vmem_shared>> -> memref<4096xi32, #tpu.memory_space<vmem_shared>>
      %dma_wait3A_165 = tpu.memref_slice %arg10[%dma_wait3A_158] : memref<2x!tpu.dma_semaphore, #tpu.memory_space<semaphore_mem>> -> memref<1x!tpu.dma_semaphore, #tpu.memory_space<semaphore_mem>>
      %dma_wait3A_166 = tpu.memref_squeeze %dma_wait3A_165 : memref<1x!tpu.dma_semaphore, #tpu.memory_space<semaphore_mem>> -> memref<!tpu.dma_semaphore, #tpu.memory_space<semaphore_mem>>
      %dma_wait3A_167 = arith.constant 0 : i32
      %dma_wait3A_168 = tpu.memref_slice %arg7[%dma_wait3A_157, %dma_wait3A_167] : memref<2x4096xi32, #tpu.memory_space<vmem>> -> memref<1x4096xi32, #tpu.memory_space<vmem>>
      %dma_wait3A_169 = tpu.memref_squeeze %dma_wait3A_168 : memref<1x4096xi32, #tpu.memory_space<vmem>> -> memref<4096xi32, #tpu.memory_space<vmem>>
      %dma_wait3A_170 = arith.constant 12288 : i32
      %dma_wait3A_171 = tpu.memref_slice %arg8[%rem3A_38, %dma_wait3A_170] : memref<2x16384xi32, #tpu.memory_space<vmem_shared>> -> memref<1x4096xi32, #tpu.memory_space<vmem_shared>>
      %dma_wait3A_172 = tpu.memref_squeeze %dma_wait3A_171 : memref<1x4096xi32, #tpu.memory_space<vmem_shared>> -> memref<4096xi32, #tpu.memory_space<vmem_shared>>
      tpu.wait_dma2 semaphore(%dma_wait3A_166 : memref<!tpu.dma_semaphore, #tpu.memory_space<semaphore_mem>>) src(%dma_wait3A_172 : memref<4096xi32, #tpu.memory_space<vmem_shared>>) dst(%dma_wait3A_169 : memref<4096xi32, #tpu.memory_space<vmem>>)
      %parallel_loop3A_173 = arith.constant 0 : i32
      %parallel_loop3A_174 = arith.constant 256 : i32
      %parallel_loop3A_175 = arith.constant 1 : i32
      scf.for %parallel_loop3A_191 = %parallel_loop3A_173 to %parallel_loop3A_174 step %parallel_loop3A_175  : i32 {
        %parallel_loop3A_192 = arith.constant 16 : i32
        %parallel_loop3A_193 = arith.muli %parallel_loop3A_191, %parallel_loop3A_192 : i32
        %parallel_loop3A_194 = arith.constant 1 : i32
        %parallel_loop3A_195 = arith.index_cast %parallel_loop3A_194 : i32 to index
        %parallel_loop3A_196 = arith.index_cast %parallel_loop3A_193 : i32 to index
        %parallel_loop3A_197 = tpu.vector_load %arg7[%parallel_loop3A_195, %parallel_loop3A_196] {strides = array<i32>} : memref<2x4096xi32, #tpu.memory_space<vmem>>, vector<16xi32>,
        %parallel_loop3A_198 = tpu.vector_load_idx %arg5[%parallel_loop3A_197] : memref<100000xf32, #tpu.memory_space<vmem>>[vector<16xi32>], vector<16xf32>,
        %parallel_loop3A_199 = arith.constant 16 : i32
        %parallel_loop3A_200 = arith.muli %parallel_loop3A_191, %parallel_loop3A_199 : i32
        %parallel_loop3A_201 = arith.constant 12288 : i32
        %parallel_loop3A_202 = arith.addi %parallel_loop3A_201, %parallel_loop3A_200 : i32
        %parallel_loop3A_203 = arith.index_cast %parallel_loop3A_202 : i32 to index
        %parallel_loop3A_204 = tpu.vector_load %arg6[%parallel_loop3A_203] {strides = array<i32>} : memref<16384xf32, #tpu.memory_space<vmem>>, vector<16xf32>,
        tpu.vector_store %arg6[%parallel_loop3A_203], %parallel_loop3A_198 {add = true, strides = array<i32>} : memref<16384xf32, #tpu.memory_space<vmem>>, vector<16xf32>,
      } {sc.loop_unroll_factor = 8 : i64, sc.parallel_access}
      %add3A_176 = arith.constant 1 : i32
      %add3A_177 = arith.addi %add3A_37, %add3A_176 : i32
      %lt3A_178 = arith.constant 26 : i32
      %lt3A_179 = arith.cmpi slt, %add3A_177, %lt3A_178 : i32
      %convert_element_type3A_180 = arith.extui %lt3A_179 : i1 to i32
      %cond3A_181 = arith.constant 0 : i32
      %cond3A_182 = arith.cmpi ne, %convert_element_type3A_180, %cond3A_181 : i32
      scf.if %cond3A_182 {
        %add3A_191 = arith.constant 1 : i32
        %add3A_192 = arith.addi %add3A_37, %add3A_191 : i32
        %dma_start3A_193 = arith.constant 0 : i32
        %dma_start3A_194 = tpu.memref_slice %arg3[%add3A_192, %add3A, %dma_start3A_193] : memref<26x32x100000xf32, #tpu.memory_space<hbm>> -> memref<1x1x100000xf32, #tpu.memory_space<hbm>>
        %dma_start3A_195 = tpu.memref_squeeze %dma_start3A_194 : memref<1x1x100000xf32, #tpu.memory_space<hbm>> -> memref<100000xf32, #tpu.memory_space<hbm>>
        %dma_start3A_196 = arith.constant 0 : i32
        %dma_start3A_197 = tpu.memref_slice %arg3[%add3A_192, %add3A, %dma_start3A_196] : memref<26x32x100000xf32, #tpu.memory_space<hbm>> -> memref<1x1x100000xf32, #tpu.memory_space<hbm>>
        %dma_start3A_198 = tpu.memref_squeeze %dma_start3A_197 : memref<1x1x100000xf32, #tpu.memory_space<hbm>> -> memref<100000xf32, #tpu.memory_space<hbm>>
        tpu.enqueue_dma source(%dma_start3A_198 : memref<100000xf32, #tpu.memory_space<hbm>>) target(%arg5 : memref<100000xf32, #tpu.memory_space<vmem>>) target_semaphore(%arg9 : memref<!tpu.dma_semaphore, #tpu.memory_space<semaphore_mem>>)
      } else {
      }
      %barrier3A_183 = arith.constant 0 : index
      tpu.barrier barrier_id(%barrier3A_183)
      %add3A_184 = arith.constant 1 : i32
      %add3A_185 = arith.addi %add3A_37, %add3A_184 : i32
      %lt3A_186 = arith.constant 26 : i32
      %lt3A_187 = arith.cmpi slt, %add3A_185, %lt3A_186 : i32
      %convert_element_type3A_188 = arith.extui %lt3A_187 : i1 to i32
      %cond3A_189 = arith.constant 0 : i32
      %cond3A_190 = arith.cmpi ne, %convert_element_type3A_188, %cond3A_189 : i32
      scf.if %cond3A_190 {
        %sub3A = arith.constant 1 : i32
        %sub3A_191 = arith.subi %sub3A, %rem3A_38 : i32
        %dma_start3A_192 = arith.constant 0 : i32
        %dma_start3A_193 = arith.constant 0 : i32
        %dma_start3A_194 = arith.constant 0 : i32
        %dma_start3A_195 = tpu.memref_slice %arg7[%dma_start3A_192, %dma_start3A_194] : memref<2x4096xi32, #tpu.memory_space<vmem>> -> memref<1x4096xi32, #tpu.memory_space<vmem>>
        %dma_start3A_196 = tpu.memref_squeeze %dma_start3A_195 : memref<1x4096xi32, #tpu.memory_space<vmem>> -> memref<4096xi32, #tpu.memory_space<vmem>>
        %dma_start3A_197 = arith.constant 0 : i32
        %dma_start3A_198 = tpu.memref_slice %arg8[%sub3A_191, %dma_start3A_197] : memref<2x16384xi32, #tpu.memory_space<vmem_shared>> -> memref<1x4096xi32, #tpu.memory_space<vmem_shared>>
        %dma_start3A_199 = tpu.memref_squeeze %dma_start3A_198 : memref<1x4096xi32, #tpu.memory_space<vmem_shared>> -> memref<4096xi32, #tpu.memory_space<vmem_shared>>
        %dma_start3A_200 = tpu.memref_slice %arg10[%dma_start3A_193] : memref<2x!tpu.dma_semaphore, #tpu.memory_space<semaphore_mem>> -> memref<1x!tpu.dma_semaphore, #tpu.memory_space<semaphore_mem>>
        %dma_start3A_201 = tpu.memref_squeeze %dma_start3A_200 : memref<1x!tpu.dma_semaphore, #tpu.memory_space<semaphore_mem>> -> memref<!tpu.dma_semaphore, #tpu.memory_space<semaphore_mem>>
        %dma_start3A_202 = arith.constant 0 : i32
        %dma_start3A_203 = tpu.memref_slice %arg7[%dma_start3A_192, %dma_start3A_202] : memref<2x4096xi32, #tpu.memory_space<vmem>> -> memref<1x4096xi32, #tpu.memory_space<vmem>>
        %dma_start3A_204 = tpu.memref_squeeze %dma_start3A_203 : memref<1x4096xi32, #tpu.memory_space<vmem>> -> memref<4096xi32, #tpu.memory_space<vmem>>
        %dma_start3A_205 = arith.constant 0 : i32
        %dma_start3A_206 = tpu.memref_slice %arg8[%sub3A_191, %dma_start3A_205] : memref<2x16384xi32, #tpu.memory_space<vmem_shared>> -> memref<1x4096xi32, #tpu.memory_space<vmem_shared>>
        %dma_start3A_207 = tpu.memref_squeeze %dma_start3A_206 : memref<1x4096xi32, #tpu.memory_space<vmem_shared>> -> memref<4096xi32, #tpu.memory_space<vmem_shared>>
        tpu.enqueue_dma source(%dma_start3A_207 : memref<4096xi32, #tpu.memory_space<vmem_shared>>) target(%dma_start3A_204 : memref<4096xi32, #tpu.memory_space<vmem>>) target_semaphore(%dma_start3A_201 : memref<!tpu.dma_semaphore, #tpu.memory_space<semaphore_mem>>)
      } else {
      }
    }
    %scan3A_32 = arith.constant 26 : i32
    "tpu.region"() ({
      %run_scoped3A = tpu.sem_alloc : memref<!tpu.dma_semaphore, #tpu.memory_space<semaphore_mem>>
      %dma_start3A_33 = arith.constant 0 : i32
      %dma_start3A_34 = tpu.memref_slice %arg4[%add3A, %dma_start3A_33] : memref<32x16384xf32, #tpu.memory_space<hbm>> -> memref<1x16384xf32, #tpu.memory_space<hbm>>
      %dma_start3A_35 = tpu.memref_squeeze %dma_start3A_34 : memref<1x16384xf32, #tpu.memory_space<hbm>> -> memref<16384xf32, #tpu.memory_space<hbm>>
      %dma_start3A_36 = arith.constant 0 : i32
      %dma_start3A_37 = tpu.memref_slice %arg4[%add3A, %dma_start3A_36] : memref<32x16384xf32, #tpu.memory_space<hbm>> -> memref<1x16384xf32, #tpu.memory_space<hbm>>
      %dma_start3A_38 = tpu.memref_squeeze %dma_start3A_37 : memref<1x16384xf32, #tpu.memory_space<hbm>> -> memref<16384xf32, #tpu.memory_space<hbm>>
      tpu.enqueue_dma source(%arg6 : memref<16384xf32, #tpu.memory_space<vmem>>) target(%dma_start3A_38 : memref<16384xf32, #tpu.memory_space<hbm>>) target_semaphore(%run_scoped3A : memref<!tpu.dma_semaphore, #tpu.memory_space<semaphore_mem>>)
      %dma_wait3A = arith.constant 0 : i32
      %dma_wait3A_39 = tpu.memref_slice %arg4[%add3A, %dma_wait3A] : memref<32x16384xf32, #tpu.memory_space<hbm>> -> memref<1x16384xf32, #tpu.memory_space<hbm>>
      %dma_wait3A_40 = tpu.memref_squeeze %dma_wait3A_39 : memref<1x16384xf32, #tpu.memory_space<hbm>> -> memref<16384xf32, #tpu.memory_space<hbm>>
      %dma_wait3A_41 = arith.constant 0 : i32
      %dma_wait3A_42 = tpu.memref_slice %arg4[%add3A, %dma_wait3A_41] : memref<32x16384xf32, #tpu.memory_space<hbm>> -> memref<1x16384xf32, #tpu.memory_space<hbm>>
      %dma_wait3A_43 = tpu.memref_squeeze %dma_wait3A_42 : memref<1x16384xf32, #tpu.memory_space<hbm>> -> memref<16384xf32, #tpu.memory_space<hbm>>
      tpu.wait_dma2 semaphore(%run_scoped3A : memref<!tpu.dma_semaphore, #tpu.memory_space<semaphore_mem>>) src(%arg6 : memref<16384xf32, #tpu.memory_space<vmem>>) dst(%dma_wait3A_43 : memref<16384xf32, #tpu.memory_space<hbm>>)
      tpu.yield
    }) : () -> ()
    return
  }
}

module attributes {stable_mosaic.version = 14 : i64} {
  func.func @_ln_body(%arg0: i32, %arg1: memref<32x2048xf32, #tpu.memory_space<vmem>>, %arg2: memref<64x2048xf32, #tpu.memory_space<vmem>>, %arg3: memref<24x2048xf32, #tpu.memory_space<vmem>>, %arg4: memref<8x2048xf32, #tpu.memory_space<vmem>>, %arg5: memref<120x1xf32, #tpu.memory_space<vmem>>, %arg6: memref<120x1xf32, #tpu.memory_space<vmem>>, %arg7: memref<120x2048xf32, #tpu.memory_space<vmem>>) attributes {dimension_semantics = [#tpu.dimension_semantics<arbitrary>], iteration_bounds = array<i64: 8>, scalar_prefetch = 0 : i64, scratch_operands = 0 : i64, tpu.core_type = #tpu.core_type<tc>, window_params = [{transform_indices = @transform_0, window_bounds = array<i64: 32, 2048>}, {transform_indices = @transform_1, window_bounds = array<i64: 64, 2048>}, {transform_indices = @transform_2, window_bounds = array<i64: 24, 2048>}, {transform_indices = @transform_3, window_bounds = array<i64: 8, 2048>}, {pipeline_mode = #tpu.pipeline_mode<synchronous>, transform_indices = @transform_4, window_bounds = array<i64: 120, 1>}, {pipeline_mode = #tpu.pipeline_mode<synchronous>, transform_indices = @transform_5, window_bounds = array<i64: 120, 1>}, {transform_indices = @transform_6, window_bounds = array<i64: 120, 2048>}]} {
    %get3A = arith.constant 0 : index
    %get3A_0 = arith.constant 0 : index
    %get3A_1 = vector.load %arg1[%get3A, %get3A_0] : memref<32x2048xf32, #tpu.memory_space<vmem>>, vector<32x2048xf32>
    %get3A_2 = arith.constant 0 : index
    %get3A_3 = arith.constant 0 : index
    %get3A_4 = vector.load %arg2[%get3A_2, %get3A_3] : memref<64x2048xf32, #tpu.memory_space<vmem>>, vector<64x2048xf32>
    %get3A_5 = arith.constant 0 : index
    %get3A_6 = arith.constant 0 : index
    %get3A_7 = vector.load %arg3[%get3A_5, %get3A_6] : memref<24x2048xf32, #tpu.memory_space<vmem>>, vector<24x2048xf32>
    %get3A_8 = arith.constant 0 : index
    %get3A_9 = arith.constant 0 : index
    %get3A_10 = vector.load %arg4[%get3A_8, %get3A_9] : memref<8x2048xf32, #tpu.memory_space<vmem>>, vector<1x2048xf32>
    %reduce_sum3A = arith.constant dense<0.000000e+00> : vector<2048xf32>
    %reduce_sum3A_11 = vector.multi_reduction <add>, %get3A_1, %reduce_sum3A [0] : vector<32x2048xf32> to vector<2048xf32>
    %broadcast_in_dim3A = vector.shape_cast %reduce_sum3A_11 : vector<2048xf32> to vector<1x2048xf32>
    %add3A = arith.addf %get3A_10, %broadcast_in_dim3A : vector<1x2048xf32>
    %get3A_12 = arith.constant 1 : index
    %get3A_13 = arith.constant 0 : index
    %get3A_14 = vector.load %arg4[%get3A_12, %get3A_13] : memref<8x2048xf32, #tpu.memory_space<vmem>>, vector<1x2048xf32>
    %mul3A = arith.mulf %get3A_1, %get3A_1 : vector<32x2048xf32>
    %reduce_sum3A_15 = arith.constant dense<0.000000e+00> : vector<2048xf32>
    %reduce_sum3A_16 = vector.multi_reduction <add>, %mul3A, %reduce_sum3A_15 [0] : vector<32x2048xf32> to vector<2048xf32>
    %broadcast_in_dim3A_17 = vector.shape_cast %reduce_sum3A_16 : vector<2048xf32> to vector<1x2048xf32>
    %add3A_18 = arith.addf %get3A_14, %broadcast_in_dim3A_17 : vector<1x2048xf32>
    %mul3A_19 = arith.constant 0.00833333377 : f32
    %mul3A_20 = vector.broadcast %mul3A_19 : f32 to vector<1x2048xf32>
    %mul3A_21 = arith.mulf %add3A, %mul3A_20 : vector<1x2048xf32>
    %mul3A_22 = arith.constant 0.00833333377 : f32
    %mul3A_23 = vector.broadcast %mul3A_22 : f32 to vector<1x2048xf32>
    %mul3A_24 = arith.mulf %add3A_18, %mul3A_23 : vector<1x2048xf32>
    %mul3A_25 = arith.mulf %mul3A_21, %mul3A_21 : vector<1x2048xf32>
    %sub3A = arith.subf %mul3A_24, %mul3A_25 : vector<1x2048xf32>
    %add3A_26 = arith.constant 9.99999974E-6 : f32
    %add3A_27 = vector.broadcast %add3A_26 : f32 to vector<1x2048xf32>
    %add3A_28 = arith.addf %sub3A, %add3A_27 : vector<1x2048xf32>
    %rsqrt3A = math.rsqrt %add3A_28 : vector<1x2048xf32>
    %get3A_29 = arith.constant 0 : index
    %get3A_30 = arith.constant 0 : index
    %get3A_31 = vector.load %arg5[%get3A_29, %get3A_30] : memref<120x1xf32, #tpu.memory_space<vmem>>, vector<120x1xf32>
    %get3A_32 = arith.constant 0 : index
    %get3A_33 = arith.constant 0 : index
    %get3A_34 = vector.load %arg6[%get3A_32, %get3A_33] : memref<120x1xf32, #tpu.memory_space<vmem>>, vector<120x1xf32>
    %sub3A_35 = vector.broadcast %mul3A_21 : vector<1x2048xf32> to vector<32x2048xf32>
    %sub3A_36 = arith.subf %get3A_1, %sub3A_35 : vector<32x2048xf32>
    %mul3A_37 = vector.broadcast %rsqrt3A : vector<1x2048xf32> to vector<32x2048xf32>
    %mul3A_38 = arith.mulf %sub3A_36, %mul3A_37 : vector<32x2048xf32>
    %slice3A = vector.extract_strided_slice %get3A_31 {offsets = [0, 0], sizes = [32, 1], strides = [1, 1]} : vector<120x1xf32> to vector<32x1xf32>
    %mul3A_39 = vector.broadcast %slice3A : vector<32x1xf32> to vector<32x2048xf32>
    %mul3A_40 = arith.mulf %mul3A_38, %mul3A_39 : vector<32x2048xf32>
    %slice3A_41 = vector.extract_strided_slice %get3A_34 {offsets = [0, 0], sizes = [32, 1], strides = [1, 1]} : vector<120x1xf32> to vector<32x1xf32>
    %add3A_42 = vector.broadcast %slice3A_41 : vector<32x1xf32> to vector<32x2048xf32>
    %add3A_43 = arith.addf %mul3A_40, %add3A_42 : vector<32x2048xf32>
    %swap3A = arith.constant 0 : index
    %swap3A_44 = arith.constant 0 : index
    %swap3A_45 = vector.load %arg7[%swap3A, %swap3A_44] : memref<120x2048xf32, #tpu.memory_space<vmem>>, vector<32x2048xf32>
    tpu.vector_store %arg7[%swap3A, %swap3A_44], %add3A_43 {strides = array<i32>} : memref<120x2048xf32, #tpu.memory_space<vmem>>, vector<32x2048xf32>,
    %sub3A_46 = vector.broadcast %mul3A_21 : vector<1x2048xf32> to vector<64x2048xf32>
    %sub3A_47 = arith.subf %get3A_4, %sub3A_46 : vector<64x2048xf32>
    %mul3A_48 = vector.broadcast %rsqrt3A : vector<1x2048xf32> to vector<64x2048xf32>
    %mul3A_49 = arith.mulf %sub3A_47, %mul3A_48 : vector<64x2048xf32>
    %slice3A_50 = vector.extract_strided_slice %get3A_31 {offsets = [32, 0], sizes = [64, 1], strides = [1, 1]} : vector<120x1xf32> to vector<64x1xf32>
    %mul3A_51 = vector.broadcast %slice3A_50 : vector<64x1xf32> to vector<64x2048xf32>
    %mul3A_52 = arith.mulf %mul3A_49, %mul3A_51 : vector<64x2048xf32>
    %slice3A_53 = vector.extract_strided_slice %get3A_34 {offsets = [32, 0], sizes = [64, 1], strides = [1, 1]} : vector<120x1xf32> to vector<64x1xf32>
    %add3A_54 = vector.broadcast %slice3A_53 : vector<64x1xf32> to vector<64x2048xf32>
    %add3A_55 = arith.addf %mul3A_52, %add3A_54 : vector<64x2048xf32>
    %swap3A_56 = arith.constant 32 : index
    %swap3A_57 = arith.constant 0 : index
    %swap3A_58 = vector.load %arg7[%swap3A_56, %swap3A_57] : memref<120x2048xf32, #tpu.memory_space<vmem>>, vector<64x2048xf32>
    tpu.vector_store %arg7[%swap3A_56, %swap3A_57], %add3A_55 {strides = array<i32>} : memref<120x2048xf32, #tpu.memory_space<vmem>>, vector<64x2048xf32>,
    %sub3A_59 = vector.broadcast %mul3A_21 : vector<1x2048xf32> to vector<24x2048xf32>
    %sub3A_60 = arith.subf %get3A_7, %sub3A_59 : vector<24x2048xf32>
    %mul3A_61 = vector.broadcast %rsqrt3A : vector<1x2048xf32> to vector<24x2048xf32>
    %mul3A_62 = arith.mulf %sub3A_60, %mul3A_61 : vector<24x2048xf32>
    %slice3A_63 = vector.extract_strided_slice %get3A_31 {offsets = [96, 0], sizes = [24, 1], strides = [1, 1]} : vector<120x1xf32> to vector<24x1xf32>
    %mul3A_64 = vector.broadcast %slice3A_63 : vector<24x1xf32> to vector<24x2048xf32>
    %mul3A_65 = arith.mulf %mul3A_62, %mul3A_64 : vector<24x2048xf32>
    %slice3A_66 = vector.extract_strided_slice %get3A_34 {offsets = [96, 0], sizes = [24, 1], strides = [1, 1]} : vector<120x1xf32> to vector<24x1xf32>
    %add3A_67 = vector.broadcast %slice3A_66 : vector<24x1xf32> to vector<24x2048xf32>
    %add3A_68 = arith.addf %mul3A_65, %add3A_67 : vector<24x2048xf32>
    %swap3A_69 = arith.constant 96 : index
    %swap3A_70 = arith.constant 0 : index
    %swap3A_71 = vector.load %arg7[%swap3A_69, %swap3A_70] : memref<120x2048xf32, #tpu.memory_space<vmem>>, vector<24x2048xf32>
    tpu.vector_store %arg7[%swap3A_69, %swap3A_70], %add3A_68 {strides = array<i32>} : memref<120x2048xf32, #tpu.memory_space<vmem>>, vector<24x2048xf32>,
    return
  }
  func.func @transform_0(%arg0: i32) -> (i32, i32) {
    %c0_i32 = arith.constant 0 : i32
    %c0_i32_0 = arith.constant 0 : i32
    return %c0_i32, %arg0 : i32, i32
  }
  func.func @transform_1(%arg0: i32) -> (i32, i32) {
    %c0_i32 = arith.constant 0 : i32
    %c0_i32_0 = arith.constant 0 : i32
    return %c0_i32, %arg0 : i32, i32
  }
  func.func @transform_2(%arg0: i32) -> (i32, i32) {
    %c0_i32 = arith.constant 0 : i32
    %c0_i32_0 = arith.constant 0 : i32
    return %c0_i32, %arg0 : i32, i32
  }
  func.func @transform_3(%arg0: i32) -> (i32, i32) {
    %c0_i32 = arith.constant 0 : i32
    %c0_i32_0 = arith.constant 0 : i32
    return %c0_i32, %arg0 : i32, i32
  }
  func.func @transform_4(%arg0: i32) -> (i32, i32) {
    %c0_i32 = arith.constant 0 : i32
    %c0_i32_0 = arith.constant 0 : i32
    %c0_i32_1 = arith.constant 0 : i32
    return %c0_i32, %c0_i32_0 : i32, i32
  }
  func.func @transform_5(%arg0: i32) -> (i32, i32) {
    %c0_i32 = arith.constant 0 : i32
    %c0_i32_0 = arith.constant 0 : i32
    %c0_i32_1 = arith.constant 0 : i32
    return %c0_i32, %c0_i32_0 : i32, i32
  }
  func.func @transform_6(%arg0: i32) -> (i32, i32) {
    %c0_i32 = arith.constant 0 : i32
    %c0_i32_0 = arith.constant 0 : i32
    return %c0_i32, %arg0 : i32, i32
  }
}

module attributes {stable_mosaic.version = 14 : i64} {
  func.func @_mlp_body(%arg0: i32, %arg1: memref<64x2048xf32, #tpu.memory_space<vmem>>, %arg2: memref<24x2048xf32, #tpu.memory_space<vmem>>, %arg3: memref<64x64xf32, #tpu.memory_space<vmem>>, %arg4: memref<64x1xf32, #tpu.memory_space<vmem>>, %arg5: memref<64x64xf32, #tpu.memory_space<vmem>>, %arg6: memref<64x1xf32, #tpu.memory_space<vmem>>, %arg7: memref<24x24xf32, #tpu.memory_space<vmem>>, %arg8: memref<24x1xf32, #tpu.memory_space<vmem>>, %arg9: memref<64x2048xf32, #tpu.memory_space<vmem>>, %arg10: memref<24x2048xf32, #tpu.memory_space<vmem>>, %arg11: memref<8x2048xf32, #tpu.memory_space<vmem>>) attributes {dimension_semantics = [#tpu.dimension_semantics<arbitrary>], iteration_bounds = array<i64: 8>, scalar_prefetch = 0 : i64, scratch_operands = 0 : i64, tpu.core_type = #tpu.core_type<tc>, window_params = [{transform_indices = @transform_0, window_bounds = array<i64: 64, 2048>}, {transform_indices = @transform_1, window_bounds = array<i64: 24, 2048>}, {pipeline_mode = #tpu.pipeline_mode<synchronous>, transform_indices = @transform_2, window_bounds = array<i64: 64, 64>}, {pipeline_mode = #tpu.pipeline_mode<synchronous>, transform_indices = @transform_3, window_bounds = array<i64: 64, 1>}, {pipeline_mode = #tpu.pipeline_mode<synchronous>, transform_indices = @transform_4, window_bounds = array<i64: 64, 64>}, {pipeline_mode = #tpu.pipeline_mode<synchronous>, transform_indices = @transform_5, window_bounds = array<i64: 64, 1>}, {pipeline_mode = #tpu.pipeline_mode<synchronous>, transform_indices = @transform_6, window_bounds = array<i64: 24, 24>}, {pipeline_mode = #tpu.pipeline_mode<synchronous>, transform_indices = @transform_7, window_bounds = array<i64: 24, 1>}, {transform_indices = @transform_8, window_bounds = array<i64: 64, 2048>}, {transform_indices = @transform_9, window_bounds = array<i64: 24, 2048>}, {transform_indices = @transform_10, window_bounds = array<i64: 8, 2048>}]} {
    %get3A = arith.constant 0 : index
    %get3A_0 = arith.constant 0 : index
    %get3A_1 = vector.load %arg3[%get3A, %get3A_0] : memref<64x64xf32, #tpu.memory_space<vmem>>, vector<64x64xf32>
    %get3A_2 = arith.constant 0 : index
    %get3A_3 = arith.constant 0 : index
    %get3A_4 = vector.load %arg1[%get3A_2, %get3A_3] : memref<64x2048xf32, #tpu.memory_space<vmem>>, vector<64x2048xf32>
    %dot_general3A = arith.constant dense<0.000000e+00> : vector<64x2048xf32>
    %dot_general3A_5 = tpu.matmul %get3A_1, %get3A_4, %dot_general3A {dimension_numbers = #tpu.dot_dimension_numbers<[0], [0], [1], [1], [0, 1, 1, 1], [], []>, transpose_lhs_hint = false} : vector<64x64xf32>, vector<64x2048xf32>, vector<64x2048xf32> -> vector<64x2048xf32>
    %get3A_6 = arith.constant 0 : index
    %get3A_7 = arith.constant 0 : index
    %get3A_8 = vector.load %arg4[%get3A_6, %get3A_7] : memref<64x1xf32, #tpu.memory_space<vmem>>, vector<64x1xf32>
    %add3A = vector.broadcast %get3A_8 : vector<64x1xf32> to vector<64x2048xf32>
    %add3A_9 = arith.addf %dot_general3A_5, %add3A : vector<64x2048xf32>
    %max3A = arith.constant 0.000000e+00 : f32
    %max3A_10 = vector.broadcast %max3A : f32 to vector<64x2048xf32>
    %max3A_11 = arith.maximumf %add3A_9, %max3A_10 : vector<64x2048xf32>
    %get3A_12 = arith.constant 0 : index
    %get3A_13 = arith.constant 0 : index
    %get3A_14 = vector.load %arg5[%get3A_12, %get3A_13] : memref<64x64xf32, #tpu.memory_space<vmem>>, vector<64x64xf32>
    %dot_general3A_15 = arith.constant dense<0.000000e+00> : vector<64x2048xf32>
    %dot_general3A_16 = tpu.matmul %get3A_14, %max3A_11, %dot_general3A_15 {dimension_numbers = #tpu.dot_dimension_numbers<[0], [0], [1], [1], [0, 1, 1, 1], [], []>, transpose_lhs_hint = false} : vector<64x64xf32>, vector<64x2048xf32>, vector<64x2048xf32> -> vector<64x2048xf32>
    %get3A_17 = arith.constant 0 : index
    %get3A_18 = arith.constant 0 : index
    %get3A_19 = vector.load %arg6[%get3A_17, %get3A_18] : memref<64x1xf32, #tpu.memory_space<vmem>>, vector<64x1xf32>
    %add3A_20 = vector.broadcast %get3A_19 : vector<64x1xf32> to vector<64x2048xf32>
    %add3A_21 = arith.addf %dot_general3A_16, %add3A_20 : vector<64x2048xf32>
    %get3A_22 = arith.constant 0 : index
    %get3A_23 = arith.constant 0 : index
    %get3A_24 = vector.load %arg7[%get3A_22, %get3A_23] : memref<24x24xf32, #tpu.memory_space<vmem>>, vector<24x24xf32>
    %get3A_25 = arith.constant 0 : index
    %get3A_26 = arith.constant 0 : index
    %get3A_27 = vector.load %arg2[%get3A_25, %get3A_26] : memref<24x2048xf32, #tpu.memory_space<vmem>>, vector<24x2048xf32>
    %dot_general3A_28 = arith.constant dense<0.000000e+00> : vector<24x2048xf32>
    %dot_general3A_29 = tpu.matmul %get3A_24, %get3A_27, %dot_general3A_28 {dimension_numbers = #tpu.dot_dimension_numbers<[0], [0], [1], [1], [0, 1, 1, 1], [], []>, transpose_lhs_hint = false} : vector<24x24xf32>, vector<24x2048xf32>, vector<24x2048xf32> -> vector<24x2048xf32>
    %get3A_30 = arith.constant 0 : index
    %get3A_31 = arith.constant 0 : index
    %get3A_32 = vector.load %arg8[%get3A_30, %get3A_31] : memref<24x1xf32, #tpu.memory_space<vmem>>, vector<24x1xf32>
    %add3A_33 = vector.broadcast %get3A_32 : vector<24x1xf32> to vector<24x2048xf32>
    %add3A_34 = arith.addf %dot_general3A_29, %add3A_33 : vector<24x2048xf32>
    %swap3A = arith.constant 0 : index
    %swap3A_35 = arith.constant 0 : index
    %swap3A_36 = vector.load %arg9[%swap3A, %swap3A_35] : memref<64x2048xf32, #tpu.memory_space<vmem>>, vector<64x2048xf32>
    tpu.vector_store %arg9[%swap3A, %swap3A_35], %add3A_21 {strides = array<i32>} : memref<64x2048xf32, #tpu.memory_space<vmem>>, vector<64x2048xf32>,
    %swap3A_37 = arith.constant 0 : index
    %swap3A_38 = arith.constant 0 : index
    %swap3A_39 = vector.load %arg10[%swap3A_37, %swap3A_38] : memref<24x2048xf32, #tpu.memory_space<vmem>>, vector<24x2048xf32>
    tpu.vector_store %arg10[%swap3A_37, %swap3A_38], %add3A_34 {strides = array<i32>} : memref<24x2048xf32, #tpu.memory_space<vmem>>, vector<24x2048xf32>,
    %reduce_sum3A = arith.constant dense<0.000000e+00> : vector<2048xf32>
    %reduce_sum3A_40 = vector.multi_reduction <add>, %add3A_21, %reduce_sum3A [0] : vector<64x2048xf32> to vector<2048xf32>
    %broadcast_in_dim3A = vector.shape_cast %reduce_sum3A_40 : vector<2048xf32> to vector<1x2048xf32>
    %reduce_sum3A_41 = arith.constant dense<0.000000e+00> : vector<2048xf32>
    %reduce_sum3A_42 = vector.multi_reduction <add>, %add3A_34, %reduce_sum3A_41 [0] : vector<24x2048xf32> to vector<2048xf32>
    %broadcast_in_dim3A_43 = vector.shape_cast %reduce_sum3A_42 : vector<2048xf32> to vector<1x2048xf32>
    %add3A_44 = arith.addf %broadcast_in_dim3A, %broadcast_in_dim3A_43 : vector<1x2048xf32>
    %swap3A_45 = arith.constant 0 : index
    %swap3A_46 = arith.constant 0 : index
    %swap3A_47 = vector.load %arg11[%swap3A_45, %swap3A_46] : memref<8x2048xf32, #tpu.memory_space<vmem>>, vector<1x2048xf32>
    tpu.vector_store %arg11[%swap3A_45, %swap3A_46], %add3A_44 {strides = array<i32>} : memref<8x2048xf32, #tpu.memory_space<vmem>>, vector<1x2048xf32>,
    %mul3A = arith.mulf %add3A_21, %add3A_21 : vector<64x2048xf32>
    %reduce_sum3A_48 = arith.constant dense<0.000000e+00> : vector<2048xf32>
    %reduce_sum3A_49 = vector.multi_reduction <add>, %mul3A, %reduce_sum3A_48 [0] : vector<64x2048xf32> to vector<2048xf32>
    %broadcast_in_dim3A_50 = vector.shape_cast %reduce_sum3A_49 : vector<2048xf32> to vector<1x2048xf32>
    %mul3A_51 = arith.mulf %add3A_34, %add3A_34 : vector<24x2048xf32>
    %reduce_sum3A_52 = arith.constant dense<0.000000e+00> : vector<2048xf32>
    %reduce_sum3A_53 = vector.multi_reduction <add>, %mul3A_51, %reduce_sum3A_52 [0] : vector<24x2048xf32> to vector<2048xf32>
    %broadcast_in_dim3A_54 = vector.shape_cast %reduce_sum3A_53 : vector<2048xf32> to vector<1x2048xf32>
    %add3A_55 = arith.addf %broadcast_in_dim3A_50, %broadcast_in_dim3A_54 : vector<1x2048xf32>
    %swap3A_56 = arith.constant 1 : index
    %swap3A_57 = arith.constant 0 : index
    %swap3A_58 = vector.load %arg11[%swap3A_56, %swap3A_57] : memref<8x2048xf32, #tpu.memory_space<vmem>>, vector<1x2048xf32>
    tpu.vector_store %arg11[%swap3A_56, %swap3A_57], %add3A_55 {strides = array<i32>} : memref<8x2048xf32, #tpu.memory_space<vmem>>, vector<1x2048xf32>,
    return
  }
  func.func @transform_0(%arg0: i32) -> (i32, i32) {
    %c0_i32 = arith.constant 0 : i32
    %c0_i32_0 = arith.constant 0 : i32
    return %c0_i32, %arg0 : i32, i32
  }
  func.func @transform_1(%arg0: i32) -> (i32, i32) {
    %c0_i32 = arith.constant 0 : i32
    %c0_i32_0 = arith.constant 0 : i32
    return %c0_i32, %arg0 : i32, i32
  }
  func.func @transform_2(%arg0: i32) -> (i32, i32) {
    %c0_i32 = arith.constant 0 : i32
    %c0_i32_0 = arith.constant 0 : i32
    %c0_i32_1 = arith.constant 0 : i32
    return %c0_i32, %c0_i32_0 : i32, i32
  }
  func.func @transform_3(%arg0: i32) -> (i32, i32) {
    %c0_i32 = arith.constant 0 : i32
    %c0_i32_0 = arith.constant 0 : i32
    %c0_i32_1 = arith.constant 0 : i32
    return %c0_i32, %c0_i32_0 : i32, i32
  }
  func.func @transform_4(%arg0: i32) -> (i32, i32) {
    %c0_i32 = arith.constant 0 : i32
    %c0_i32_0 = arith.constant 0 : i32
    %c0_i32_1 = arith.constant 0 : i32
    return %c0_i32, %c0_i32_0 : i32, i32
  }
  func.func @transform_5(%arg0: i32) -> (i32, i32) {
    %c0_i32 = arith.constant 0 : i32
    %c0_i32_0 = arith.constant 0 : i32
    %c0_i32_1 = arith.constant 0 : i32
    return %c0_i32, %c0_i32_0 : i32, i32
  }
  func.func @transform_6(%arg0: i32) -> (i32, i32) {
    %c0_i32 = arith.constant 0 : i32
    %c0_i32_0 = arith.constant 0 : i32
    %c0_i32_1 = arith.constant 0 : i32
    return %c0_i32, %c0_i32_0 : i32, i32
  }
  func.func @transform_7(%arg0: i32) -> (i32, i32) {
    %c0_i32 = arith.constant 0 : i32
    %c0_i32_0 = arith.constant 0 : i32
    %c0_i32_1 = arith.constant 0 : i32
    return %c0_i32, %c0_i32_0 : i32, i32
  }
  func.func @transform_8(%arg0: i32) -> (i32, i32) {
    %c0_i32 = arith.constant 0 : i32
    %c0_i32_0 = arith.constant 0 : i32
    return %c0_i32, %arg0 : i32, i32
  }
  func.func @transform_9(%arg0: i32) -> (i32, i32) {
    %c0_i32 = arith.constant 0 : i32
    %c0_i32_0 = arith.constant 0 : i32
    return %c0_i32, %arg0 : i32, i32
  }
  func.func @transform_10(%arg0: i32) -> (i32, i32) {
    %c0_i32 = arith.constant 0 : i32
    %c0_i32_0 = arith.constant 0 : i32
    return %c0_i32, %arg0 : i32, i32
  }
}

</mosaic_0001>

<sc_bundles>
// kernel: kernel.5.cloned.1.call-start
scs
__scs_entry_jumppad:
0x0: {  	(pc) =	sbr.rel $0x88, $3  }
0x1: {  	(tag) =	ssettag $0x0;
	lr =	simm.s32 $0x1  }
0x2: {  	[smem:$0x3F95] =	sst lr;
	_ =	strace $0xD0000000  }
0x3: {  	_ = 	snop  }
0x4: {  	_ = 	snop  }
0x5: {  	_ = 	snop  }
0x6: {  	_ = 	snop  }
0x7: {  	_ = 	snop  }
__scs_overlays_trampoline_lowered:
0x8: {  	[smem:$0x3FA4] =	sst s0  }
0x9: {  	[smem:$0x3FA5] =	sst s1  }
0xa: {  	[smem:$0x3FA6] =	sst s2  }
0xb: {  	[smem:$0x3FA7] =	sst s3  }
0xc: {  	[smem:$0x3FA8] =	sst s4  }
0xd: {  	[smem:$0x3FA9] =	sst s5  }
0xe: {  	[smem:$0x3FAA] =	sst s6  }
0xf: {  	[smem:$0x3FAB] =	sst s7  }
0x10: {  	[smem:$0x3FAC] =	sst s8  }
0x11: {  	[smem:$0x3FAD] =	sst s9;
	s0 =	simm.s32 @!p0 $0x0  }
0x12: {  	s1 =	sld [smem:$0x3F93];
	s0 =	simm.s32 @p0 $0x1  }
0x13: {  	[smem:$0x3FAE] =	sst s0;
	s0 =	simm.s32 @!p1 $0x0  }
0x14: {  	s2 =	sld [smem:$0x3F92];
	s0 =	simm.s32 @p1 $0x1  }
0x15: {  	[smem:$0x3FAF] =	sst s0;
	s0 =	simm.s32 @!p2 $0x0  }
0x16: {  	s3 =	sld [smem:$0x3FDB];
	s0 =	simm.s32 @p2 $0x1  }
0x17: {  	s4 =	simm.s32 $0x1BF5;
	[smem:$0x3FB1] =	sst s0  }
0x18: {  	s0 =	sld [smem:$0x3F94];
	_ =	swait.ge [sflag:s4], $0x0  }
0x19: {  	s7 =	sld [smem:$0x3F95]  }
0x1a: {  	s8 =	sadd.s32 $0xFFFFE003, lr  }
0x1b: {  	s9 =	sadd.s32 $0xFFFFFEF7, lr;
	s5 =	simm.s32 $0xFFFFFFFF;
	p2 =	slt.u32 s8, $0xFFFFF086  }
0x1c: {  	p1 =	slt.u32 s9, $0xF7A;
	s5 =	simm.s32 @!p2 $0x0  }
0x1d: {  	s5 =	simm.s32 @p1 $0x1;
	p0 =	seq.s32 s7, s2  }
0x1e: {  	s7 =	smul.u32 @!p0 $0xF7A, s2;
	p2 =	seq.s32 @!p0 s5, $0x0  }
0x1f: {  	s9 =	smul.u32 $0xF7A, s1;
	s8 =	simm.s32 @!p0 $0x1BF5;
	p2 =	por !p2, p0  }
0x20: {  	[sflag:s8] =	ssyncset.s32 @!p0 $0xFFFFF086;
	s6 =	sadd.s32 @!p0 s3, s7;
	s7 =	simm.s32 @!p0 $0x108  }
0x21: {  	s3 =	sadd.s32 s3, s9;
	s6 =	sadd.s32 @!p0 $0x88, s6;
	s7 =	simm.s32 @p2 $0x1082  }
0x22: {  	[simem:s7], [sflag:s8] =	dma.local @!p0 [hbm:s6], $0xF7A  }
0x23: {  	s9 =	sor.u32 $0xD0000000, s2;
	s6 =	simm.s32 $0x108;
	_ =	swait.ge @!p0 [sflag:s8], $0x0  }
0x24: {  	s3 =	sadd.s32 $0x88, s3;
	s6 =	simm.s32 @!p1 $0x1082;
	[sflag:s4] =	ssyncset.s32 $0xFFFFF086  }
0x25: {  	[simem:s6], [sflag:s4] =	dma.local [hbm:s3], $0xF7A  }
0x26: {  	[smem:$0x3F95] =	sst s1;
	(tag) =	ssettag s2;
	_ =	strace s9  }
0x27: {  	s1 =	sld [smem:$0x3FA5]  }
0x28: {  	s2 =	sld [smem:$0x3FA6]  }
0x29: {  	s4 =	sld [smem:$0x3FA8]  }
0x2a: {  	p0 =	seq.s32 s5, $0x0;
	s5 =	sld [smem:$0x3FA9]  }
0x2b: {  	s6 =	sld [smem:$0x3FAA]  }
0x2c: {  	s7 =	sld [smem:$0x3FAB]  }
0x2d: {  	s3 =	simm.s32 $0x108;
	s8 =	sld [smem:$0x3FAC]  }
0x2e: {  	s3 =	simm.s32 @!p0 $0x1082;
	s9 =	sld [smem:$0x3FAD]  }
0x2f: {  	lr =	sadd.s32 s0, s3;
	s0 =	sld [smem:$0x3FA4]  }
0x30: {  	s3 =	sld [smem:$0x3FA7]  }
0x31: {  	[smem:$0x3FB0] =	sst s10  }
0x32: {  	s10 =	sld [smem:$0x3FAE];
	_ =	sdelay $0x3  }
0x33: {  	p0 =	seq.s32 s10, $0x1;
	s10 =	sld [smem:$0x3FB0];
	_ =	sdelay $0x3  }
0x34: {  	[smem:$0x3FB0] =	sst s10  }
0x35: {  	s10 =	sld [smem:$0x3FAF];
	_ =	sdelay $0x3  }
0x36: {  	p1 =	seq.s32 s10, $0x1;
	s10 =	sld [smem:$0x3FB0];
	_ =	sdelay $0x3  }
0x37: {  	[smem:$0x3FB0] =	sst s10  }
0x38: {  	s10 =	sld [smem:$0x3FB1]  }
0x39: {  	_ = 	snop;
	(pc) =	sbr.ind lr, $3  }
0x3a: {  	_ = 	snop  }
0x3b: {  	_ = 	snop  }
0x3c: {  	p2 =	seq.s32 s10, $0x1;
	s10 =	sld [smem:$0x3FB0]  }
0x3d: {  	_ =	shalt  }
0x3e: {  	_ =	shalt  }
0x3f: {  	_ =	shalt  }
0x40: {  	_ =	shalt  }
0x41: {  	_ =	shalt  }
0x42: {  	_ =	shalt  }
0x43: {  	_ =	shalt  }
0x44: {  	_ =	shalt  }
0x45: {  	_ =	shalt  }
0x46: {  	_ =	shalt  }
0x47: {  	_ =	shalt  }
0x48: {  	_ =	shalt  }
0x49: {  	_ =	shalt  }
0x4a: {  	_ =	shalt  }
0x4b: {  	_ =	shalt  }
0x4c: {  	_ =	shalt  }
0x4d: {  	_ =	shalt  }
0x4e: {  	_ =	shalt  }
0x4f: {  	_ =	shalt  }
0x50: {  	_ =	shalt  }
0x51: {  	_ =	shalt  }
0x52: {  	_ =	shalt  }
0x53: {  	_ =	shalt  }
0x54: {  	_ =	shalt  }
0x55: {  	_ =	shalt  }
0x56: {  	_ =	shalt  }
0x57: {  	_ =	shalt  }
0x58: {  	_ =	shalt  }
0x59: {  	_ =	shalt  }
0x5a: {  	_ =	shalt  }
0x5b: {  	_ =	shalt  }
0x5c: {  	_ =	shalt  }
0x5d: {  	_ =	shalt  }
0x5e: {  	_ =	shalt  }
0x5f: {  	_ =	shalt  }
0x60: {  	_ =	shalt  }
0x61: {  	_ =	shalt  }
0x62: {  	_ =	shalt  }
0x63: {  	_ =	shalt  }
0x64: {  	_ =	shalt  }
0x65: {  	_ =	shalt  }
0x66: {  	_ =	shalt  }
0x67: {  	_ =	shalt  }
0x68: {  	_ =	shalt  }
0x69: {  	_ =	shalt  }
0x6a: {  	_ =	shalt  }
0x6b: {  	_ =	shalt  }
0x6c: {  	_ =	shalt  }
0x6d: {  	_ =	shalt  }
0x6e: {  	_ =	shalt  }
0x6f: {  	_ =	shalt  }
0x70: {  	_ =	shalt  }
0x71: {  	_ =	shalt  }
0x72: {  	_ =	shalt  }
0x73: {  	_ =	shalt  }
0x74: {  	_ =	shalt  }
0x75: {  	_ =	shalt  }
0x76: {  	_ =	shalt  }
0x77: {  	_ =	shalt  }
0x78: {  	_ =	shalt  }
0x79: {  	_ =	shalt  }
0x7a: {  	_ =	shalt  }
0x7b: {  	_ =	shalt  }
0x7c: {  	_ =	shalt  }
0x7d: {  	_ =	shalt  }
0x7e: {  	_ =	shalt  }
0x7f: {  	_ =	shalt  }
0x80: {  	_ =	shalt  }
0x81: {  	_ =	shalt  }
0x82: {  	_ =	shalt  }
0x83: {  	_ =	shalt  }
0x84: {  	_ =	shalt  }
0x85: {  	_ =	shalt  }
0x86: {  	_ =	shalt  }
0x87: {  	_ =	shalt  }
.Lfunc_end0:
.L_simem_size_0:
called_computation_lowered:
.L_overlay_start_0:
0x88: {  	s2 =	sld [smem:$0x3FD9]  }
0x89: {  	s3 =	sld [smem:$0x3FFE];
	_ =	sdelay $0x1  }
0x8a: {  	s1 =	srdreg.scid  }
0x8b: {  	s0 =	sand.u32 $0x1, s1  }
0x8c: {  	s18 =	sshll.u32 s0, $0xA;
	s2 =	sadd.s32 s3, s2  }
0x8d: {  	s2 =	sadd.s32 s2, s18  }
0x8e: {  	[smem:$0x3FBC] =	sst s2  }
0x8f: {  	_ = 	snop  }
0x90: {  	s2 =	sld [smem:$0x3FC9]  }
0x91: {  	s19 =	sld [smem:$0x3FC6]  }
0x92: {  	s4 =	sld [smem:$0x3FD0];
	(tm) =	ssettm $0x1  }
0x93: {  	s5 =	sld [smem:$0x3FFB];
	_ =	sdelay $0x3  }
0x94: {  	_ =	strace s5  }
0x95: {  	s5 =	sld [smem:$0x3FFC];
	_ =	sdelay $0x3  }
0x96: {  	_ =	strace s5  }
0x97: {  	s5 =	sld [smem:$0x3FFD];
	_ =	sdelay $0x3  }
0x98: {  	_ =	strace s5  }
0x99: {  	_ =	strace $0x8FFFFFFF  }
0x9a: {  	s20 =	sld [smem:$0x3FDB];
	_ =	sdelay $0x1  }
0x9b: {  	s6 =	simm.s32 $_scs_section_size  }
0x9c: {  	s7 =	simm.s32 $_size__tile_overlayer_lowered;
	s8 =	simm.s32 $_tile_overlayer_lowered  }
0x9d: {  	s23 =	simm.s32 $0x1BFF;
	s22 =	sshll.u32 s8, $0x1;
	s5 =	sadd.s32 s6, s20  }
0x9e: {  	s9 =	simm.s32 $0x0;
	s21 =	sshll.u32 s7, $0x1;
	s7 =	sadd.s32 s22, s5  }
0x9f: {  	[timem:s9], [sflag:s23] =	dma.local [hbm:s7], s21  }
0xa0: {  	_ =	swait.ge [sflag:s23], s21  }
0xa1: {  	s6 =	ssub.s32 $0x0, s21;
	[sflag:s23] =	ssyncset.done $0x0  }
0xa2: {  	[sflag:s23] =	ssyncadd.s32 s6;
	_ =	sdelay $0x1  }
0xa3: {  	s24 =	simm.s32 $0x1B8B  }
0xa4: {  	_ =	swait.ge [sflag:s24], $0x1  }
0xa5: {  	[sflag:s24] =	ssyncset.done $0x0  }
0xa6: {  	s25 =	simm.s32 $0x1B8E;
	[sflag:s24] =	ssyncadd.s32 $0xFFFFFFFF  }
0xa7: {  	s26 =	simm.s32 $execute0_lowered;
	[smem:$0x3FD2] =	sst s25  }
0xa8: {  	s6 =	sshll.u32 s26, $0x1;
	_ =	strace $0x80000046;
	[dreg:$0x1] =	wrdreg $0xFFFFFFFF  }
0xa9: {  	s28 =	simm.s32 $_size_execute0_lowered;
	s5 =	sadd.s32 s5, s6;
	[dreg:$0x0] =	wrdreg $0x0  }
0xaa: {  	s6 =	sshll.u32 s28, $0x1;
	[dreg:$0x2] =	wrdreg s5  }
0xab: {  	[dreg:$0x3] =	wrdreg s6  }
0xac: {  	[dreg:$0x4] =	wrdreg $0xC0  }
0xad: {  	_ =	task [dreg:s9], $0x5FFFF  }
0xae: {  	[dreg:$0x1] =	wrdreg $0xFFFFFFFF  }
0xaf: {  	[dreg:$0x0] =	wrdreg $0x60  }
0xb0: {  	[dreg:$0x2] =	wrdreg s2  }
0xb1: {  	[dreg:$0x3] =	wrdreg s19  }
0xb2: {  	[dreg:$0x4] =	wrdreg s4  }
0xb3: {  	[dreg:$0x5] =	wrdreg $0x1E7000  }
0xb4: {  	[dreg:$0x6] =	wrdreg $0x9  }
0xb5: {  	_ =	task.clear_ibuf [dreg:s9], $0x7FFFF;
	_ =	strace $0x90000046  }
0xb6: {  	s29 =	simm.s32 $0x9;
	_ =	strace $0x80000048  }
0xb7: {  	_ =	swait.ge [sflag:s29], $0x1  }
0xb8: {  	[sflag:s29] =	ssyncadd.s32 $0xFFFFFFFF  }
0xb9: {  	_ =	strace $0x90000048  }
0xba: {  	_ =	sfence  }
0xbb: {  	s30 =	sld [smem:$0x0];
	_ =	sdelay $0x2  }
0xbc: {  	s31 =	sshll.u32 s1, $0xD;
	s1 =	sshrl.u32 s1, $0x2  }
0xbd: {  	s3 =	sand.u32 $0x4000, s31;
	s1 =	sadd.s32 s1, s30  }
0xbe: {  	s0 =	sor.u32 s3, s0;
	s1 =	sshll.u32 s1, $0x11  }
0xbf: {  	s0 =	sor.u32 s1, s0  }
0xc0: {  	s0 =	sadd.s32 $0x8F2B, s0  }
0xc1: {  	[sflag:s0] =	ssyncadd.remote.s32 $0x1  }
0xc2: {  	_ =	sfence.sel $0xFFFF  }
0xc3: {  	[dreg:$0x0] =	wrdreg $0xFFFFFFFF;
	(pc) =	sbr.abs _section_cstart, $3  }
0xc4: {  	[dreg:$0x1] =	wrdreg $0xFFFFFFFF  }
0xc5: {  	_ =	task.clear_ibuf [dreg:s9], $0x2FFFF;
	_ =	strace $0x9FFFFFFF  }
0xc6: {  	(tm) =	ssettm $0x7FFFFFFF  }
0xc7: {  	_ =	shalt  }
tec
execute0_lowered:
.L_overlay_start_1:
0x0: {  	(tag) =	ssettag $0x1  }
0x1: {  	s1 =	rddreg [dreg:$0x0]  }
0x2: {  	s2 =	rddreg [dreg:$0x1]  }
0x3: {  	s7 =	rddreg [dreg:$0x2]  }
0x4: {  	s3 =	rddreg [dreg:$0x3]  }
0x5: {  	s0 =	rddreg [dreg:$0x4]  }
0x6: {  	s4 =	simm.s32 $0x0;
	s5 =	srdreg.scid;
	s9 =	stileid.u32  }
0x7: {  	s13 =	simm.s32 $0x20;
	s14 =	simm.s32 $0x1C04;
	s15 =	simm.s32 $0x4  }
0x8: {  	s16 =	simm.s32 $0x2;
	s17 =	simm.s32 $0x3;
	s18 =	simm.s32 $0x18700  }
0x9: {  	s19 =	simm.s32 $0x0;
	[smem:$0x7FF] =	sst s4;
	s5 =	sand.u32 $0x1, s5  }
0xa: {  	s6 =	sshrl.u32 s9, $0x2;
	s8 =	sshll.u32 s9, $0x8;
	p0 =	sne.s32 s9, $0x0  }
0xb: {  	s9 =	simm.s32 $0x80;
	_ =	strace $0x80000047;
	s10 =	smul.u32 $0xC3800, s6  }
0xc: {  	s11 =	sshll.u32 s5, $0x7;
	s8 =	sand.u32 $0x300, s8;
	s12 =	ssub.s32 $0x2, s5  }
.Ltmp0:
0xd: {  	s6 =	sshll.u32 s6, $0x11;
	s8 =	sor.u32 s11, s8;
	(pc) =	sbr.rel .LBB2_1-.Ltmp0, $4  }
0xe: {  	s29 =	sshrl.u32 s12, $0x1;
	s11 =	sshrl.u32 @!p0 s3, $0x3;
	s5 =	sor.u32 s10, s8  }
0xf: {  	s6 =	sor.u32 s6, s8;
	s30 =	ssub.s32 s12, s29;
	s12 =	simm.s32 $0x1  }
0x10: {  	s10 =	sshrl.u32 s5, $0x3;
	s31 =	sshrl.u32 s6, $0x3;
	s8 =	smax.u32 s30, $0x1  }
0x11: {  	v0 =	vimm.f32 $0.0e+00;
	s6 =	sadd.s32 s2, s10;
	s7 =	sadd.s32 s7, s31;
	s10 =	simm.s32 $0x400  }
.LBB2_26:
0x12: {  	[bflag:$0x0] =	sbarrier.arrive $0xFFFF  }
.LBB2_24:
0x13: {  	s19 =	sadd.s32 $0x1, s19  }
0x14: {  	p1 =	sne.s32 s19, s8  }
.Ltmp1:
0x15: {  	_ = 	snop;
	(pc) =	sbr.rel @!p1 .LBB2_25-.Ltmp1, $4  }
0x16: {  	[hbm4b:s7+s9] =	stream.strided.scatter [tilespmem:s18], [sflag:$0x4], $0x4000, s10, s9, $0x38;
	[tilespmem:$0x1EF00] =	vst v63  }
0x17: {  	_ =	swait.ge [sflag:s15], $0x4000  }
0x18: {  	[sflag:s15] =	ssyncset.done $0x0  }
0x19: {  	[sflag:s15] =	ssyncadd.s32 $0xFFFFC000  }
.LBB2_1:
0x1a: {  	[tilespmem:s4], [sflag:$0x1] =	stream.strided.gather [hbm4b:s6+s9], $0x18700, s10, s9, $0x38;
	[tilespmem:$0x1EF00] =	vst v63  }
0x1b: {  	s20 =	simm.s32 @!p0 $0x1  }
0x1c: {  	s21 =	simm.s32 @!p0 $0x20;
	s22 =	simm.s32 @!p0 $0x80;
	s23 =	simm.s32 @!p0 $0x1C04  }
0x1d: {  	[spmem:s11@s21], [sflag:s23] =	dma.strided @!p0 [hbm:s1@s22], $0x800, s20, $0x10   }
0x1e: {  	s20 =	simm.s32 @!p0 $0x4  }
0x1f: {  	_ =	swait.ge @!p0 [sflag:s20], $0x800  }
0x20: {  	[sflag:s20] =	ssyncset.done @!p0 $0x0  }
0x21: {  	[sflag:s20] =	ssyncadd.s32 @!p0 $0xFFFFF800;
	s20 =	simm.s32 $0x18740  }
0x22: {  	[tilespmem:s20+$0xFFFFFFC0] =	vst v0  }
0x23: {  	[tilespmem:s20+$0x30] =	vst v0  }
0x24: {  	[tilespmem:s20+$0x20] =	vst v0  }
0x25: {  	[tilespmem:s20+$0x10] =	vst v0  }
0x26: {  	[tilespmem:s20+$0x0] =	vst v0  }
0x27: {  	[tilespmem:s20+$0xFFFFFFF0] =	vst v0  }
0x28: {  	s21 =	simm.s32 $0x0;
	[tilespmem:s20+$0xFFFFFFE0] =	vst v0  }
.LBB2_2:
0x29: {  	s21 =	sadd.s32 $0x8, s21;
	[tilespmem:s20+$0xFFFFFFD0] =	vst v0;
	s20 =	sadd.s32 $0x80, s20  }
0x2a: {  	[tilespmem:s20+$0xFFFFFFC0] =	vst v0;
	p1 =	slt.u32 s21, $0x3F8  }
0x2b: {  	[tilespmem:s20+$0x30] =	vst v0  }
.Ltmp2:
0x2c: {  	[tilespmem:s20+$0x20] =	vst v0;
	(pc) =	sbr.rel @p1 .LBB2_2-.Ltmp2, $4  }
0x2d: {  	[tilespmem:s20+$0x10] =	vst v0  }
0x2e: {  	[tilespmem:s20+$0x0] =	vst v0  }
0x2f: {  	[tilespmem:s20+$0xFFFFFFF0] =	vst v0  }
0x30: {  	[tilespmem:s20+$0xFFFFFFE0] =	vst v0  }
0x31: {  	[tilespmem:s20+$0xFFFFFFD0] =	vst v0;
	s21 =	simm.s32 $0x0;
	s20 =	simm.s32 $0x400  }
0x32: {  	s22 =	sadd.s32 $0x0, s3;
	s23 =	simm.s32 $0x1C700;
	[bflag:$0x0] =	sbarrier.arrive $0xFFFF  }
.LBB2_4:
0x33: {  	[tilespmem:s23], [sflag:$0x2] =	stream.linear.gather [spmem:s22], $0x80, $0x38;
	[tilespmem:$0x1EF00] =	vst v63  }
0x34: {  	s22 =	smov.u32 s20;
	p1 =	sne.s32 s20, $0x7C00  }
.Ltmp3:
0x35: {  	s20 =	sadd.s32 $0x400, s20;
	(pc) =	sbr.rel @p1 .LBB2_4-.Ltmp3, $3  }
0x36: {  	_ =	sdelay $0x1  }
0x37: {  	s23 =	sshra.s32 s22, $0x2  }
0x38: {  	s22 =	sadd.s32 s23, s3;
	s23 =	sadd.s32 $0x1C700, s23  }
0x39: {  	[tilespmem:s23], [sflag:$0x2] =	stream.linear.gather [spmem:s22], $0x80, $0x38;
	[tilespmem:$0x1EF00] =	vst v63  }
.LBB2_6:
0x3a: {  	p1 =	sne.s32 @!p0 s21, $0x19  }
0x3b: {  	s22 =	sshll.u32 s21, $0x7;
	p1 =	por p0, !p1  }
0x3c: {  	s20 =	sadd.s32 $0x1, s21;
	s22 =	sand.u32 @p1 $0x80, s22  }
0x3d: {  	s23 =	sshll.u32 @!p1 s20, $0x4;
	s22 =	sand.u32 @!p1 $0x80, s22  }
0x3e: {  	s24 =	sshll.u32 @!p1 s20, $0xB;
	s23 =	sand.u32 @!p1 $0x70, s23;
	s25 =	sxor.u32 @!p1 $0x80, s22  }
0x3f: {  	s24 =	sand.u32 @!p1 $0x1C000, s24;
	s23 =	sadd.s32 @!p1 s1, s23;
	s25 =	sadd.s32 @!p1 s25, s3  }
0x40: {  	s23 =	sadd.s32 @!p1 s24, s23;
	s24 =	sshrl.u32 @!p1 s25, $0x3  }
0x41: {  	[spmem:s24@s13], [sflag:s14] =	dma.strided @!p1 [hbm:s23@s9], $0x800, s12, $0x10   }
0x42: {  	_ =	swait.ge @!p1 [sflag:s15], $0x800  }
0x43: {  	[sflag:s15] =	ssyncset.done @!p1 $0x0  }
0x44: {  	[sflag:s15] =	ssyncadd.s32 @!p1 $0xFFFFF800  }
0x45: {  	s23 =	sadd.s32 s22, s3;
	_ =	swait.ge [sflag:s12], $0x18700  }
0x46: {  	s28 =	simm.s32 $0x1C780;
	s24 =	sadd.s32 $0x2000, s23;
	[sflag:s12] =	ssyncset.done $0x0  }
0x47: {  	s25 =	simm.s32 $0x400;
	s26 =	sadd.s32 $0x0, s24;
	[sflag:s12] =	ssyncadd.s32 $0xFFFE7900  }
.LBB2_7:
0x48: {  	[tilespmem:s28], [sflag:$0x3] =	stream.linear.gather [spmem:s26], $0x80, $0x38;
	[tilespmem:$0x1EF00] =	vst v63  }
0x49: {  	s26 =	smov.u32 s25;
	p1 =	sne.s32 s25, $0x7C00  }
.Ltmp4:
0x4a: {  	s25 =	sadd.s32 $0x400, s25;
	(pc) =	sbr.rel @p1 .LBB2_7-.Ltmp4, $3  }
0x4b: {  	_ =	sdelay $0x1  }
0x4c: {  	s28 =	sshra.s32 s26, $0x2  }
0x4d: {  	s26 =	sadd.s32 s28, s24;
	s28 =	sadd.s32 $0x1C780, s28  }
0x4e: {  	[tilespmem:s28], [sflag:$0x3] =	stream.linear.gather [spmem:s26], $0x80, $0x38;
	[tilespmem:$0x1EF00] =	vst v63  }
0x4f: {  	_ =	swait.ge [sflag:s16], $0x1000  }
0x50: {  	[sflag:s16] =	ssyncset.done $0x0  }
0x51: {  	s24 =	simm.s32 $0x1C740;
	[sflag:s16] =	ssyncadd.s32 $0xFFFFF000  }
0x52: {  	v1 =	vld [tilespmem:s24+$0x30]  }
0x53: {  	v2 =	vld [tilespmem:s24+$0xFFFFFFD0]  }
0x54: {  	v3 =	vld [tilespmem:s24+$0xFFFFFFE0]  }
0x55: {  	v4 =	vld [tilespmem:s24+$0xFFFFFFF0]  }
0x56: {  	v5 =	vld [tilespmem:s24+$0x0]  }
0x57: {  	v6 =	vld [tilespmem:s24+$0x10]  }
0x58: {  	v7 =	vld [tilespmem:s24+$0x20]  }
0x59: {  	v8 =	vld [tilespmem:s24+$0xFFFFFFC0]  }
0x5a: {  	v1 =	vld.idx.msk [tilespmem:v1+s4+$0x0], $0xffff  }
0x5b: {  	v2 =	vld.idx.msk [tilespmem:v2+s4+$0x0], $0xffff  }
0x5c: {  	v3 =	vld.idx.msk [tilespmem:v3+s4+$0x0], $0xffff  }
0x5d: {  	v4 =	vld.idx.msk [tilespmem:v4+s4+$0x0], $0xffff  }
0x5e: {  	v5 =	vld.idx.msk [tilespmem:v5+s4+$0x0], $0xffff  }
0x5f: {  	v6 =	vld.idx.msk [tilespmem:v6+s4+$0x0], $0xffff  }
0x60: {  	s24 =	simm.s32 $0x18770;
	v7 =	vld.idx.msk [tilespmem:v7+s4+$0x0], $0xffff  }
0x61: {  	[tilespmem:s24+$0x0] =	vst.add.f32.msk $0xffff, v1  }
0x62: {  	v1 =	vld.idx.msk [tilespmem:v8+s4+$0x0], $0xffff  }
0x63: {  	[tilespmem:s24+$0xFFFFFFA0] =	vst.add.f32.msk $0xffff, v2  }
0x64: {  	[tilespmem:s24+$0xFFFFFFB0] =	vst.add.f32.msk $0xffff, v3  }
0x65: {  	[tilespmem:s24+$0xFFFFFFC0] =	vst.add.f32.msk $0xffff, v4  }
0x66: {  	[tilespmem:s24+$0xFFFFFFD0] =	vst.add.f32.msk $0xffff, v5  }
0x67: {  	[tilespmem:s24+$0xFFFFFFE0] =	vst.add.f32.msk $0xffff, v6  }
0x68: {  	[tilespmem:s24+$0xFFFFFFF0] =	vst.add.f32.msk $0xffff, v7  }
0x69: {  	s25 =	simm.s32 $0x0;
	s26 =	simm.s32 $0x1C840;
	[tilespmem:s24+$0xFFFFFF90] =	vst.add.f32.msk $0xffff, v1  }
.LBB2_9:
0x6a: {  	v1 =	vld [tilespmem:s26+$0x30];
	s25 =	sadd.s32 $0x8, s25  }
0x6b: {  	v2 =	vld [tilespmem:s26+$0xFFFFFFD0];
	p1 =	slt.u32 s25, $0xF8  }
0x6c: {  	v3 =	vld [tilespmem:s26+$0xFFFFFFE0]  }
0x6d: {  	v4 =	vld [tilespmem:s26+$0xFFFFFFF0]  }
0x6e: {  	v5 =	vld [tilespmem:s26+$0x0]  }
0x6f: {  	v6 =	vld [tilespmem:s26+$0x10]  }
0x70: {  	v7 =	vld [tilespmem:s26+$0x20]  }
0x71: {  	v8 =	vld [tilespmem:s26+$0xFFFFFFC0]  }
0x72: {  	v1 =	vld.idx.msk [tilespmem:v1+s4+$0x0], $0xffff  }
0x73: {  	v2 =	vld.idx.msk [tilespmem:v2+s4+$0x0], $0xffff  }
0x74: {  	v3 =	vld.idx.msk [tilespmem:v3+s4+$0x0], $0xffff  }
0x75: {  	v4 =	vld.idx.msk [tilespmem:v4+s4+$0x0], $0xffff  }
0x76: {  	v5 =	vld.idx.msk [tilespmem:v5+s4+$0x0], $0xffff  }
0x77: {  	s24 =	sadd.s32 $0x80, s24;
	v6 =	vld.idx.msk [tilespmem:v6+s4+$0x0], $0xffff  }
0x78: {  	[tilespmem:s24+$0x0] =	vst.add.f32.msk $0xffff, v1  }
0x79: {  	v1 =	vld.idx.msk [tilespmem:v8+s4+$0x0], $0xffff  }
0x7a: {  	v7 =	vld.idx.msk [tilespmem:v7+s4+$0x0], $0xffff  }
0x7b: {  	[tilespmem:s24+$0xFFFFFFA0] =	vst.add.f32.msk $0xffff, v2  }
0x7c: {  	[tilespmem:s24+$0xFFFFFFB0] =	vst.add.f32.msk $0xffff, v3  }
.Ltmp5:
0x7d: {  	[tilespmem:s24+$0xFFFFFFC0] =	vst.add.f32.msk $0xffff, v4;
	(pc) =	sbr.rel @p1 .LBB2_9-.Ltmp5, $4  }
0x7e: {  	[tilespmem:s24+$0xFFFFFFD0] =	vst.add.f32.msk $0xffff, v5  }
0x7f: {  	[tilespmem:s24+$0xFFFFFF90] =	vst.add.f32.msk $0xffff, v1  }
0x80: {  	[tilespmem:s24+$0xFFFFFFE0] =	vst.add.f32.msk $0xffff, v6  }
0x81: {  	s26 =	sadd.s32 $0x100, s26;
	[tilespmem:s24+$0xFFFFFFF0] =	vst.add.f32.msk $0xffff, v7  }
0x82: {  	s24 =	sadd.s32 $0x4000, s23  }
0x83: {  	s25 =	simm.s32 $0x400;
	s28 =	simm.s32 $0x1C700;
	s26 =	sadd.s32 $0x0, s24  }
.LBB2_11:
0x84: {  	[tilespmem:s28], [sflag:$0x2] =	stream.linear.gather [spmem:s26], $0x80, $0x38;
	[tilespmem:$0x1EF00] =	vst v63  }
0x85: {  	s26 =	smov.u32 s25;
	p1 =	sne.s32 s25, $0x7C00  }
.Ltmp6:
0x86: {  	s25 =	sadd.s32 $0x400, s25;
	(pc) =	sbr.rel @p1 .LBB2_11-.Ltmp6, $3  }
0x87: {  	_ =	sdelay $0x1  }
0x88: {  	s28 =	sshra.s32 s26, $0x2  }
0x89: {  	s26 =	sadd.s32 s28, s24;
	s28 =	sadd.s32 $0x1C700, s28  }
0x8a: {  	[tilespmem:s28], [sflag:$0x2] =	stream.linear.gather [spmem:s26], $0x80, $0x38;
	[tilespmem:$0x1EF00] =	vst v63  }
0x8b: {  	_ =	swait.ge [sflag:s17], $0x1000  }
0x8c: {  	[sflag:s17] =	ssyncset.done $0x0  }
0x8d: {  	s24 =	simm.s32 $0x1C7F0;
	[sflag:s17] =	ssyncadd.s32 $0xFFFFF000  }
0x8e: {  	v1 =	vld [tilespmem:s24+$0x0]  }
0x8f: {  	v2 =	vld [tilespmem:s24+$0xFFFFFFA0]  }
0x90: {  	v3 =	vld [tilespmem:s24+$0xFFFFFFB0]  }
0x91: {  	v4 =	vld [tilespmem:s24+$0xFFFFFFC0]  }
0x92: {  	v5 =	vld [tilespmem:s24+$0xFFFFFFD0]  }
0x93: {  	v6 =	vld [tilespmem:s24+$0xFFFFFFE0]  }
0x94: {  	v7 =	vld [tilespmem:s24+$0xFFFFFFF0]  }
0x95: {  	v8 =	vld [tilespmem:s24+$0xFFFFFF90]  }
0x96: {  	v1 =	vld.idx.msk [tilespmem:v1+s4+$0x0], $0xffff  }
0x97: {  	v2 =	vld.idx.msk [tilespmem:v2+s4+$0x0], $0xffff  }
0x98: {  	v3 =	vld.idx.msk [tilespmem:v3+s4+$0x0], $0xffff  }
0x99: {  	v4 =	vld.idx.msk [tilespmem:v4+s4+$0x0], $0xffff  }
0x9a: {  	v5 =	vld.idx.msk [tilespmem:v5+s4+$0x0], $0xffff  }
0x9b: {  	v6 =	vld.idx.msk [tilespmem:v6+s4+$0x0], $0xffff  }
0x9c: {  	s24 =	simm.s32 $0x19770;
	v7 =	vld.idx.msk [tilespmem:v7+s4+$0x0], $0xffff  }
0x9d: {  	[tilespmem:s24+$0x0] =	vst.add.f32.msk $0xffff, v1  }
0x9e: {  	v1 =	vld.idx.msk [tilespmem:v8+s4+$0x0], $0xffff  }
0x9f: {  	[tilespmem:s24+$0xFFFFFFA0] =	vst.add.f32.msk $0xffff, v2  }
0xa0: {  	[tilespmem:s24+$0xFFFFFFB0] =	vst.add.f32.msk $0xffff, v3  }
0xa1: {  	[tilespmem:s24+$0xFFFFFFC0] =	vst.add.f32.msk $0xffff, v4  }
0xa2: {  	[tilespmem:s24+$0xFFFFFFD0] =	vst.add.f32.msk $0xffff, v5  }
0xa3: {  	[tilespmem:s24+$0xFFFFFFE0] =	vst.add.f32.msk $0xffff, v6  }
0xa4: {  	[tilespmem:s24+$0xFFFFFFF0] =	vst.add.f32.msk $0xffff, v7  }
0xa5: {  	s25 =	simm.s32 $0x0;
	s26 =	simm.s32 $0x1C8F0;
	[tilespmem:s24+$0xFFFFFF90] =	vst.add.f32.msk $0xffff, v1  }
.LBB2_13:
0xa6: {  	v1 =	vld [tilespmem:s26+$0x0];
	s25 =	sadd.s32 $0x8, s25  }
0xa7: {  	v2 =	vld [tilespmem:s26+$0xFFFFFFA0];
	p1 =	slt.u32 s25, $0xF8  }
0xa8: {  	v3 =	vld [tilespmem:s26+$0xFFFFFFB0]  }
0xa9: {  	v4 =	vld [tilespmem:s26+$0xFFFFFFC0]  }
0xaa: {  	v5 =	vld [tilespmem:s26+$0xFFFFFFD0]  }
0xab: {  	v6 =	vld [tilespmem:s26+$0xFFFFFFE0]  }
0xac: {  	v7 =	vld [tilespmem:s26+$0xFFFFFFF0]  }
0xad: {  	v8 =	vld [tilespmem:s26+$0xFFFFFF90]  }
0xae: {  	v1 =	vld.idx.msk [tilespmem:v1+s4+$0x0], $0xffff  }
0xaf: {  	v2 =	vld.idx.msk [tilespmem:v2+s4+$0x0], $0xffff  }
0xb0: {  	v3 =	vld.idx.msk [tilespmem:v3+s4+$0x0], $0xffff  }
0xb1: {  	v4 =	vld.idx.msk [tilespmem:v4+s4+$0x0], $0xffff  }
0xb2: {  	v5 =	vld.idx.msk [tilespmem:v5+s4+$0x0], $0xffff  }
0xb3: {  	s24 =	sadd.s32 $0x80, s24;
	v6 =	vld.idx.msk [tilespmem:v6+s4+$0x0], $0xffff  }
0xb4: {  	[tilespmem:s24+$0x0] =	vst.add.f32.msk $0xffff, v1  }
0xb5: {  	v1 =	vld.idx.msk [tilespmem:v8+s4+$0x0], $0xffff  }
0xb6: {  	v7 =	vld.idx.msk [tilespmem:v7+s4+$0x0], $0xffff  }
0xb7: {  	[tilespmem:s24+$0xFFFFFFA0] =	vst.add.f32.msk $0xffff, v2  }
0xb8: {  	[tilespmem:s24+$0xFFFFFFB0] =	vst.add.f32.msk $0xffff, v3  }
.Ltmp7:
0xb9: {  	[tilespmem:s24+$0xFFFFFFC0] =	vst.add.f32.msk $0xffff, v4;
	(pc) =	sbr.rel @p1 .LBB2_13-.Ltmp7, $4  }
0xba: {  	[tilespmem:s24+$0xFFFFFFD0] =	vst.add.f32.msk $0xffff, v5  }
0xbb: {  	[tilespmem:s24+$0xFFFFFF90] =	vst.add.f32.msk $0xffff, v1  }
0xbc: {  	[tilespmem:s24+$0xFFFFFFE0] =	vst.add.f32.msk $0xffff, v6  }
0xbd: {  	s26 =	sadd.s32 $0x100, s26;
	[tilespmem:s24+$0xFFFFFFF0] =	vst.add.f32.msk $0xffff, v7  }
0xbe: {  	s23 =	sadd.s32 $0x6000, s23  }
0xbf: {  	s24 =	simm.s32 $0x400;
	s26 =	simm.s32 $0x1C780;
	s25 =	sadd.s32 $0x0, s23  }
.LBB2_15:
0xc0: {  	[tilespmem:s26], [sflag:$0x3] =	stream.linear.gather [spmem:s25], $0x80, $0x38;
	[tilespmem:$0x1EF00] =	vst v63  }
0xc1: {  	s25 =	smov.u32 s24;
	p1 =	sne.s32 s24, $0x7C00  }
.Ltmp8:
0xc2: {  	s24 =	sadd.s32 $0x400, s24;
	(pc) =	sbr.rel @p1 .LBB2_15-.Ltmp8, $3  }
0xc3: {  	_ =	sdelay $0x1  }
0xc4: {  	s26 =	sshra.s32 s25, $0x2  }
0xc5: {  	s25 =	sadd.s32 s26, s23;
	s26 =	sadd.s32 $0x1C780, s26  }
0xc6: {  	[tilespmem:s26], [sflag:$0x3] =	stream.linear.gather [spmem:s25], $0x80, $0x38;
	[tilespmem:$0x1EF00] =	vst v63  }
0xc7: {  	_ =	swait.ge [sflag:s16], $0x1000  }
0xc8: {  	[sflag:s16] =	ssyncset.done $0x0  }
0xc9: {  	s23 =	simm.s32 $0x1C740;
	[sflag:s16] =	ssyncadd.s32 $0xFFFFF000  }
0xca: {  	v1 =	vld [tilespmem:s23+$0x30]  }
0xcb: {  	v2 =	vld [tilespmem:s23+$0xFFFFFFD0]  }
0xcc: {  	v3 =	vld [tilespmem:s23+$0xFFFFFFE0]  }
0xcd: {  	v4 =	vld [tilespmem:s23+$0xFFFFFFF0]  }
0xce: {  	v5 =	vld [tilespmem:s23+$0x0]  }
0xcf: {  	v6 =	vld [tilespmem:s23+$0x10]  }
0xd0: {  	v7 =	vld [tilespmem:s23+$0x20]  }
0xd1: {  	v8 =	vld [tilespmem:s23+$0xFFFFFFC0]  }
0xd2: {  	v1 =	vld.idx.msk [tilespmem:v1+s4+$0x0], $0xffff  }
0xd3: {  	v2 =	vld.idx.msk [tilespmem:v2+s4+$0x0], $0xffff  }
0xd4: {  	v3 =	vld.idx.msk [tilespmem:v3+s4+$0x0], $0xffff  }
0xd5: {  	v4 =	vld.idx.msk [tilespmem:v4+s4+$0x0], $0xffff  }
0xd6: {  	v5 =	vld.idx.msk [tilespmem:v5+s4+$0x0], $0xffff  }
0xd7: {  	v6 =	vld.idx.msk [tilespmem:v6+s4+$0x0], $0xffff  }
0xd8: {  	s23 =	simm.s32 $0x1A770;
	v7 =	vld.idx.msk [tilespmem:v7+s4+$0x0], $0xffff  }
0xd9: {  	[tilespmem:s23+$0x0] =	vst.add.f32.msk $0xffff, v1  }
0xda: {  	v1 =	vld.idx.msk [tilespmem:v8+s4+$0x0], $0xffff  }
0xdb: {  	[tilespmem:s23+$0xFFFFFFA0] =	vst.add.f32.msk $0xffff, v2  }
0xdc: {  	[tilespmem:s23+$0xFFFFFFB0] =	vst.add.f32.msk $0xffff, v3  }
0xdd: {  	[tilespmem:s23+$0xFFFFFFC0] =	vst.add.f32.msk $0xffff, v4  }
0xde: {  	[tilespmem:s23+$0xFFFFFFD0] =	vst.add.f32.msk $0xffff, v5  }
0xdf: {  	[tilespmem:s23+$0xFFFFFFE0] =	vst.add.f32.msk $0xffff, v6  }
0xe0: {  	[tilespmem:s23+$0xFFFFFFF0] =	vst.add.f32.msk $0xffff, v7  }
0xe1: {  	s24 =	simm.s32 $0x0;
	s25 =	simm.s32 $0x1C840;
	[tilespmem:s23+$0xFFFFFF90] =	vst.add.f32.msk $0xffff, v1  }
.LBB2_17:
0xe2: {  	v1 =	vld [tilespmem:s25+$0x30];
	s24 =	sadd.s32 $0x8, s24  }
0xe3: {  	v2 =	vld [tilespmem:s25+$0xFFFFFFD0];
	p1 =	slt.u32 s24, $0xF8  }
0xe4: {  	v3 =	vld [tilespmem:s25+$0xFFFFFFE0]  }
0xe5: {  	v4 =	vld [tilespmem:s25+$0xFFFFFFF0]  }
0xe6: {  	v5 =	vld [tilespmem:s25+$0x0]  }
0xe7: {  	v6 =	vld [tilespmem:s25+$0x10]  }
0xe8: {  	v7 =	vld [tilespmem:s25+$0x20]  }
0xe9: {  	v8 =	vld [tilespmem:s25+$0xFFFFFFC0]  }
0xea: {  	v1 =	vld.idx.msk [tilespmem:v1+s4+$0x0], $0xffff  }
0xeb: {  	v2 =	vld.idx.msk [tilespmem:v2+s4+$0x0], $0xffff  }
0xec: {  	v3 =	vld.idx.msk [tilespmem:v3+s4+$0x0], $0xffff  }
0xed: {  	v4 =	vld.idx.msk [tilespmem:v4+s4+$0x0], $0xffff  }
0xee: {  	v5 =	vld.idx.msk [tilespmem:v5+s4+$0x0], $0xffff  }
0xef: {  	s23 =	sadd.s32 $0x80, s23;
	v6 =	vld.idx.msk [tilespmem:v6+s4+$0x0], $0xffff  }
0xf0: {  	[tilespmem:s23+$0x0] =	vst.add.f32.msk $0xffff, v1  }
0xf1: {  	v1 =	vld.idx.msk [tilespmem:v8+s4+$0x0], $0xffff  }
0xf2: {  	v7 =	vld.idx.msk [tilespmem:v7+s4+$0x0], $0xffff  }
0xf3: {  	[tilespmem:s23+$0xFFFFFFA0] =	vst.add.f32.msk $0xffff, v2  }
0xf4: {  	[tilespmem:s23+$0xFFFFFFB0] =	vst.add.f32.msk $0xffff, v3  }
.Ltmp9:
0xf5: {  	[tilespmem:s23+$0xFFFFFFC0] =	vst.add.f32.msk $0xffff, v4;
	(pc) =	sbr.rel @p1 .LBB2_17-.Ltmp9, $4  }
0xf6: {  	[tilespmem:s23+$0xFFFFFFD0] =	vst.add.f32.msk $0xffff, v5  }
0xf7: {  	[tilespmem:s23+$0xFFFFFF90] =	vst.add.f32.msk $0xffff, v1  }
0xf8: {  	[tilespmem:s23+$0xFFFFFFE0] =	vst.add.f32.msk $0xffff, v6  }
0xf9: {  	s25 =	sadd.s32 $0x100, s25;
	[tilespmem:s23+$0xFFFFFFF0] =	vst.add.f32.msk $0xffff, v7  }
0xfa: {  	_ =	swait.ge [sflag:s17], $0x1000  }
0xfb: {  	[sflag:s17] =	ssyncset.done $0x0  }
0xfc: {  	s23 =	simm.s32 $0x1C7F0;
	[sflag:s17] =	ssyncadd.s32 $0xFFFFF000  }
0xfd: {  	v1 =	vld [tilespmem:s23+$0x0]  }
0xfe: {  	v2 =	vld [tilespmem:s23+$0xFFFFFFA0]  }
0xff: {  	v3 =	vld [tilespmem:s23+$0xFFFFFFB0]  }
0x100: {  	v4 =	vld [tilespmem:s23+$0xFFFFFFC0]  }
0x101: {  	v5 =	vld [tilespmem:s23+$0xFFFFFFD0]  }
0x102: {  	v6 =	vld [tilespmem:s23+$0xFFFFFFE0]  }
0x103: {  	v7 =	vld [tilespmem:s23+$0xFFFFFFF0]  }
0x104: {  	v8 =	vld [tilespmem:s23+$0xFFFFFF90]  }
0x105: {  	v1 =	vld.idx.msk [tilespmem:v1+s4+$0x0], $0xffff  }
0x106: {  	v2 =	vld.idx.msk [tilespmem:v2+s4+$0x0], $0xffff  }
0x107: {  	v3 =	vld.idx.msk [tilespmem:v3+s4+$0x0], $0xffff  }
0x108: {  	v4 =	vld.idx.msk [tilespmem:v4+s4+$0x0], $0xffff  }
0x109: {  	v5 =	vld.idx.msk [tilespmem:v5+s4+$0x0], $0xffff  }
0x10a: {  	v6 =	vld.idx.msk [tilespmem:v6+s4+$0x0], $0xffff  }
0x10b: {  	s23 =	simm.s32 $0x1B770;
	v7 =	vld.idx.msk [tilespmem:v7+s4+$0x0], $0xffff  }
0x10c: {  	[tilespmem:s23+$0x0] =	vst.add.f32.msk $0xffff, v1  }
0x10d: {  	v1 =	vld.idx.msk [tilespmem:v8+s4+$0x0], $0xffff  }
0x10e: {  	[tilespmem:s23+$0xFFFFFFA0] =	vst.add.f32.msk $0xffff, v2  }
0x10f: {  	[tilespmem:s23+$0xFFFFFFB0] =	vst.add.f32.msk $0xffff, v3  }
0x110: {  	[tilespmem:s23+$0xFFFFFFC0] =	vst.add.f32.msk $0xffff, v4  }
0x111: {  	[tilespmem:s23+$0xFFFFFFD0] =	vst.add.f32.msk $0xffff, v5  }
0x112: {  	[tilespmem:s23+$0xFFFFFFE0] =	vst.add.f32.msk $0xffff, v6  }
0x113: {  	[tilespmem:s23+$0xFFFFFFF0] =	vst.add.f32.msk $0xffff, v7  }
0x114: {  	s24 =	simm.s32 $0x0;
	s25 =	simm.s32 $0x1C8F0;
	[tilespmem:s23+$0xFFFFFF90] =	vst.add.f32.msk $0xffff, v1  }
.LBB2_19:
0x115: {  	v1 =	vld [tilespmem:s25+$0x0];
	s24 =	sadd.s32 $0x8, s24  }
0x116: {  	v2 =	vld [tilespmem:s25+$0xFFFFFFA0];
	p1 =	slt.u32 s24, $0xF8  }
0x117: {  	v3 =	vld [tilespmem:s25+$0xFFFFFFB0]  }
0x118: {  	v4 =	vld [tilespmem:s25+$0xFFFFFFC0]  }
0x119: {  	v5 =	vld [tilespmem:s25+$0xFFFFFFD0]  }
0x11a: {  	v6 =	vld [tilespmem:s25+$0xFFFFFFE0]  }
0x11b: {  	v7 =	vld [tilespmem:s25+$0xFFFFFFF0]  }
0x11c: {  	v8 =	vld [tilespmem:s25+$0xFFFFFF90]  }
0x11d: {  	v1 =	vld.idx.msk [tilespmem:v1+s4+$0x0], $0xffff  }
0x11e: {  	v2 =	vld.idx.msk [tilespmem:v2+s4+$0x0], $0xffff  }
0x11f: {  	v3 =	vld.idx.msk [tilespmem:v3+s4+$0x0], $0xffff  }
0x120: {  	v4 =	vld.idx.msk [tilespmem:v4+s4+$0x0], $0xffff  }
0x121: {  	v5 =	vld.idx.msk [tilespmem:v5+s4+$0x0], $0xffff  }
0x122: {  	s23 =	sadd.s32 $0x80, s23;
	v6 =	vld.idx.msk [tilespmem:v6+s4+$0x0], $0xffff  }
0x123: {  	[tilespmem:s23+$0x0] =	vst.add.f32.msk $0xffff, v1  }
0x124: {  	v1 =	vld.idx.msk [tilespmem:v8+s4+$0x0], $0xffff  }
0x125: {  	v7 =	vld.idx.msk [tilespmem:v7+s4+$0x0], $0xffff  }
0x126: {  	[tilespmem:s23+$0xFFFFFFA0] =	vst.add.f32.msk $0xffff, v2  }
0x127: {  	[tilespmem:s23+$0xFFFFFFB0] =	vst.add.f32.msk $0xffff, v3  }
.Ltmp10:
0x128: {  	[tilespmem:s23+$0xFFFFFFC0] =	vst.add.f32.msk $0xffff, v4;
	(pc) =	sbr.rel @p1 .LBB2_19-.Ltmp10, $4  }
0x129: {  	[tilespmem:s23+$0xFFFFFFD0] =	vst.add.f32.msk $0xffff, v5  }
0x12a: {  	[tilespmem:s23+$0xFFFFFF90] =	vst.add.f32.msk $0xffff, v1  }
0x12b: {  	[tilespmem:s23+$0xFFFFFFE0] =	vst.add.f32.msk $0xffff, v6  }
0x12c: {  	s25 =	sadd.s32 $0x100, s25;
	[tilespmem:s23+$0xFFFFFFF0] =	vst.add.f32.msk $0xffff, v7  }
0x12d: {  	p1 =	seq.s32 s21, $0x19  }
.Ltmp11:
0x12e: {  	_ = 	snop;
	(pc) =	sbr.rel @p1 .LBB2_26-.Ltmp11, $1  }
0x12f: {  	_ =	sdelay $0x3  }
0x130: {  	s21 =	smul.u32 $0x30E000, s20;
	_ =	sdelay $0x1  }
0x131: {  	s21 =	sadd.s32 s5, s21  }
0x132: {  	s21 =	sshrl.u32 s21, $0x3  }
0x133: {  	s23 =	simm.s32 $0x0;
	s31 =	sxor.u32 $0x80, s22;
	s21 =	sadd.s32 s2, s21  }
0x134: {  	[tilespmem:s23], [sflag:$0x1] =	stream.strided.gather [hbm4b:s21+s9], $0x18700, s10, s9, $0x38;
	[tilespmem:$0x1EF00] =	vst v63  }
0x135: {  	s22 =	simm.s32 $0x400;
	s21 =	sadd.s32 s31, s3  }
0x136: {  	s24 =	simm.s32 $0x1C700;
	[bflag:$0x0] =	sbarrier.arrive $0xFFFF;
	s23 =	sadd.s32 $0x0, s21  }
.LBB2_22:
0x137: {  	[tilespmem:s24], [sflag:$0x2] =	stream.linear.gather [spmem:s23], $0x80, $0x38;
	[tilespmem:$0x1EF00] =	vst v63  }
0x138: {  	s23 =	smov.u32 s22;
	p1 =	seq.s32 s22, $0x7C00  }
.Ltmp12:
0x139: {  	s22 =	sadd.s32 $0x400, s22;
	(pc) =	sbr.rel @!p1 .LBB2_22-.Ltmp12, $3  }
0x13a: {  	_ =	sdelay $0x1  }
0x13b: {  	s24 =	sshra.s32 s23, $0x2  }
0x13c: {  	s23 =	sadd.s32 s24, s21;
	s24 =	sadd.s32 $0x1C700, s24  }
0x13d: {  	p1 =	sne.s32 s20, $0x1A  }
.Ltmp13:
0x13e: {  	_ = 	snop;
	(pc) =	sbr.rel @p1 .LBB2_6-.Ltmp13, $4  }
.Ltmp14:
0x13f: {  	_ = 	snop;
	(pc) =	sbr.rel @!p1 .LBB2_24-.Ltmp14, $4  }
0x140: {  	_ = 	snop  }
0x141: {  	[tilespmem:s24], [sflag:$0x2] =	stream.linear.gather [spmem:s23], $0x80, $0x38;
	[tilespmem:$0x1EF00] =	vst v63  }
0x142: {  	s21 =	smov.u32 s20  }
0x143: {  	_ = 	snop  }
.LBB2_25:
0x144: {  	_ =	sfence.sel $0x180000  }
0x145: {  	[bflag:$0x0] =	sbarrier.arrive $0xFFFF  }
0x146: {  	_ =	strace $0x90000047  }
0x147: {  	s0 =	sadd.s32 @!p0 $0x100000, s0;
	[bflag:$0x2] =	sbarrier.arrive $0xFFFF  }
0x148: {  	[sflag:s0] =	ssyncadd.tile.s32 @!p0 $0x1;
	_ =	shalt  }
.Lfunc_end2:
_tile_overlayer_lowered:
.L_overlay_start_2:
0x149: {  	(tag) =	ssettag $0x2  }
0x14a: {  	s0 =	rddreg [dreg:$0x0];
	s2 =	stileid.u32  }
0x14b: {  	s1 =	rddreg [dreg:$0x1];
	p0 =	sne.s32 s2, $0x0  }
0x14c: {  	s3 =	rddreg [dreg:$0x2];
	[bflag:$0x3] =	sbarrier.arrive $0xFFFF;
	s2 =	simm.s32 @!p0 $0x1C04  }
0x14d: {  	[timem:s3], [sflag:s2] =	dma.local @!p0 [hbm:s0], s1  }
0x14e: {  	s0 =	simm.s32 @!p0 $0x4  }
0x14f: {  	_ =	swait.ge @!p0 [sflag:s0], s1  }
0x150: {  	s1 =	ssub.s32 @!p0 $0x0, s1;
	[sflag:s0] =	ssyncset.done @!p0 $0x0  }
0x151: {  	[sflag:s0] =	ssyncadd.s32 @!p0 s1  }
0x152: {  	[bflag:$0x3] =	sbarrier.arrive $0xFFFF  }
0x153: {  	_ =	shalt  }

</sc_bundles>
